<compile_context>
chip_gen: v7x
topology: tpu7x:2x2x1
jax: 0.10.2.dev20260603
libtpu: 0.0.44.dev20260713+nightly
codegen_flags: <defaults>
</compile_context>

<pallas_src>
import functools

import jax
import jax.numpy as jnp
from jax import lax
from jax.experimental import pallas as pl
from jax.experimental.pallas import tpu as pltpu
from jax.experimental.pallas import tpu_sc as plsc

VOCAB = 1_000_000
EMBED_DIM = 64
PADDED_DIM = 128
BATCH = 4096
HIST = 50
N = BATCH * HIST

_info = plsc.get_sparse_core_info()
NC = _info.num_cores
NS = _info.num_subcores
NW = NC * NS
PER_W = N // NW
CHUNK = 64
NCHUNK = PER_W // CHUNK
NBUF = 10
NITER = NCHUNK // NBUF

_mesh = plsc.VectorSubcoreMesh(core_axis_name="c", subcore_axis_name="s")


@functools.partial(
    pl.kernel,
    mesh=_mesh,
    compiler_params=pltpu.CompilerParams(use_tc_tiling_on_sc=False),
    out_type=jax.ShapeDtypeStruct((N, EMBED_DIM), jnp.float32),
    scratch_types=(
        [
            pltpu.VMEM((NCHUNK, CHUNK), jnp.int32),
            pltpu.VMEM((NBUF, CHUNK, EMBED_DIM), jnp.float32),
        ]
        + [pltpu.SemaphoreType.DMA] * (2 * NBUF)
    ),
)
def _gather_kernel(table_hbm, idx_hbm, out_hbm, idx_v, rows_v, *sems):
    gsem = sems[:NBUF]
    wsem = sems[NBUF:]
    wid = lax.axis_index("s") * NC + lax.axis_index("c")
    base = wid * PER_W
    pltpu.sync_copy(idx_hbm.at[wid], idx_v)

    def fire_gather(c, b):
        pltpu.async_copy(table_hbm.at[idx_v.at[c]], rows_v.at[b], gsem[b])

    def wait_gather(b):
        pltpu.make_async_copy(table_hbm.at[idx_v.at[0]], rows_v.at[b], gsem[b]).wait()

    def fire_write(c, b):
        pltpu.async_copy(
            rows_v.at[b], out_hbm.at[pl.ds(base + c * CHUNK, CHUNK)], wsem[b]
        )

    def wait_write(b):
        pltpu.make_async_copy(
            rows_v.at[b], out_hbm.at[pl.ds(base, CHUNK)], wsem[b]
        ).wait()

    for b in range(NBUF):
        fire_gather(b, b)

    def cycle(i, carry):
        for b in range(NBUF):
            wait_gather(b)
            fire_write(i * NBUF + b, b)
        for b in range(NBUF):
            wait_write(b)
            fire_gather((i + 1) * NBUF + b, b)
        return carry

    lax.fori_loop(0, NITER - 1, cycle, 0)

    last = (NITER - 1) * NBUF
    for b in range(NBUF):
        wait_gather(b)
        fire_write(last + b, b)
    for b in range(NBUF):
        wait_write(b)


def kernel(encoded_input, table):
    idx = encoded_input.reshape(-1).astype(jnp.int32)
    idx2 = (2 * idx).reshape(NW, NCHUNK, CHUNK)
    table_p = jnp.pad(table, ((0, 0), (0, PADDED_DIM - EMBED_DIM)))
    table_v = table_p.reshape(2 * VOCAB, EMBED_DIM)
    out = _gather_kernel(table_v, idx2)
    return out.reshape(BATCH, HIST, EMBED_DIM)

# --- scband reference (transcript-rebuilt; emitter-appended) ---
"""Pipeline reference for scband-utterance-encoder-12506944766255 (READ-ONLY COPY).

The authoritative reference and input builder live on the scoring server;
editing this copy changes nothing except your own understanding.
"""

import jax, jax.numpy as jnp
import numpy as np

VOCAB = 1000000
EMBED_DIM = 64
BATCH = 4096
HIST = 50

def setup_inputs(seed: int = 0) -> dict:
    key = jax.random.key(seed)
    k1, k2 = jax.random.split(key)
    encoded_input = jax.random.randint(k1, (BATCH, HIST), 0, VOCAB)
    table = jax.random.normal(k2, (VOCAB, EMBED_DIM), dtype=jnp.float32)
    return {"encoded_input": encoded_input, "table": table}

def reference(encoded_input, table):
    # UtteranceEncoder.forward: embed = self.embedding(encoded_input)
    # (the provided forward body ends after the embedding lookup; the LSTM is
    # constructed in __init__ but never applied in the given forward code)
    embed = jnp.take(table, encoded_input, axis=0)
    return embed

if __name__ == "__main__":
    import jax
    _d = setup_inputs()
    print(jax.jit(kernel)(*tuple(_d.values())))

</pallas_src>

<mosaic_0001>
#map = affine_map<(d0, d1) -> (0, 0)>
#map1 = affine_map<(d0, d1) -> (0, 0, 0)>
module attributes {stable_mosaic.version = 14 : i64} {
  func.func @_gather_kernel(%arg0: i32, %arg1: i32, %arg2: memref<2000000x64xf32, #tpu.memory_space<hbm>>, %arg3: memref<32x100x64xi32, #tpu.memory_space<hbm>>, %arg4: memref<204800x64xf32, #tpu.memory_space<hbm>>, %arg5: memref<100x64xi32, #tpu.memory_space<vmem>>, %arg6: memref<10x64x64xf32, #tpu.memory_space<vmem>>, %arg7: memref<!tpu.dma_semaphore, #tpu.memory_space<semaphore_mem>>, %arg8: memref<!tpu.dma_semaphore, #tpu.memory_space<semaphore_mem>>, %arg9: memref<!tpu.dma_semaphore, #tpu.memory_space<semaphore_mem>>, %arg10: memref<!tpu.dma_semaphore, #tpu.memory_space<semaphore_mem>>, %arg11: memref<!tpu.dma_semaphore, #tpu.memory_space<semaphore_mem>>, %arg12: memref<!tpu.dma_semaphore, #tpu.memory_space<semaphore_mem>>, %arg13: memref<!tpu.dma_semaphore, #tpu.memory_space<semaphore_mem>>, %arg14: memref<!tpu.dma_semaphore, #tpu.memory_space<semaphore_mem>>, %arg15: memref<!tpu.dma_semaphore, #tpu.memory_space<semaphore_mem>>, %arg16: memref<!tpu.dma_semaphore, #tpu.memory_space<semaphore_mem>>, %arg17: memref<!tpu.dma_semaphore, #tpu.memory_space<semaphore_mem>>, %arg18: memref<!tpu.dma_semaphore, #tpu.memory_space<semaphore_mem>>, %arg19: memref<!tpu.dma_semaphore, #tpu.memory_space<semaphore_mem>>, %arg20: memref<!tpu.dma_semaphore, #tpu.memory_space<semaphore_mem>>, %arg21: memref<!tpu.dma_semaphore, #tpu.memory_space<semaphore_mem>>, %arg22: memref<!tpu.dma_semaphore, #tpu.memory_space<semaphore_mem>>, %arg23: memref<!tpu.dma_semaphore, #tpu.memory_space<semaphore_mem>>, %arg24: memref<!tpu.dma_semaphore, #tpu.memory_space<semaphore_mem>>, %arg25: memref<!tpu.dma_semaphore, #tpu.memory_space<semaphore_mem>>, %arg26: memref<!tpu.dma_semaphore, #tpu.memory_space<semaphore_mem>>) attributes {dimension_semantics = [#tpu.dimension_semantics<core_parallel>, #tpu.dimension_semantics<subcore_parallel>], iteration_bounds = array<i64: 2, 16>, scalar_prefetch = 0 : i64, scratch_operands = 22 : i64, tpu.core_type = #tpu.core_type<sc_vector_subcore>, window_params = [{transform_indices = #map}, {transform_indices = #map1}, {transform_indices = #map}]} {
    %mul3A = arith.constant 2 : i32
    %mul3A_0 = arith.muli %arg1, %mul3A : i32
    %add3A = arith.addi %mul3A_0, %arg0 : i32
    %mul3A_1 = arith.constant 6400 : i32
    %mul3A_2 = arith.muli %add3A, %mul3A_1 : i32
    "tpu.region"() ({
      %run_scoped3A = tpu.sem_alloc : memref<!tpu.dma_semaphore, #tpu.memory_space<semaphore_mem>>
      %dma_start3A_526 = arith.constant 0 : i32
      %dma_start3A_527 = arith.constant 0 : i32
      %dma_start3A_528 = tpu.memref_slice %arg3[%add3A, %dma_start3A_526, %dma_start3A_527] : memref<32x100x64xi32, #tpu.memory_space<hbm>> -> memref<1x100x64xi32, #tpu.memory_space<hbm>>
      %dma_start3A_529 = tpu.memref_squeeze %dma_start3A_528 : memref<1x100x64xi32, #tpu.memory_space<hbm>> -> memref<100x64xi32, #tpu.memory_space<hbm>>
      %dma_start3A_530 = arith.constant 0 : i32
      %dma_start3A_531 = arith.constant 0 : i32
      %dma_start3A_532 = tpu.memref_slice %arg3[%add3A, %dma_start3A_530, %dma_start3A_531] : memref<32x100x64xi32, #tpu.memory_space<hbm>> -> memref<1x100x64xi32, #tpu.memory_space<hbm>>
      %dma_start3A_533 = tpu.memref_squeeze %dma_start3A_532 : memref<1x100x64xi32, #tpu.memory_space<hbm>> -> memref<100x64xi32, #tpu.memory_space<hbm>>
      tpu.enqueue_dma source(%dma_start3A_533 : memref<100x64xi32, #tpu.memory_space<hbm>>) target(%arg5 : memref<100x64xi32, #tpu.memory_space<vmem>>) target_semaphore(%run_scoped3A : memref<!tpu.dma_semaphore, #tpu.memory_space<semaphore_mem>>)
      %dma_wait3A_534 = arith.constant 0 : i32
      %dma_wait3A_535 = arith.constant 0 : i32
      %dma_wait3A_536 = tpu.memref_slice %arg3[%add3A, %dma_wait3A_534, %dma_wait3A_535] : memref<32x100x64xi32, #tpu.memory_space<hbm>> -> memref<1x100x64xi32, #tpu.memory_space<hbm>>
      %dma_wait3A_537 = tpu.memref_squeeze %dma_wait3A_536 : memref<1x100x64xi32, #tpu.memory_space<hbm>> -> memref<100x64xi32, #tpu.memory_space<hbm>>
      %dma_wait3A_538 = arith.constant 0 : i32
      %dma_wait3A_539 = arith.constant 0 : i32
      %dma_wait3A_540 = tpu.memref_slice %arg3[%add3A, %dma_wait3A_538, %dma_wait3A_539] : memref<32x100x64xi32, #tpu.memory_space<hbm>> -> memref<1x100x64xi32, #tpu.memory_space<hbm>>
      %dma_wait3A_541 = tpu.memref_squeeze %dma_wait3A_540 : memref<1x100x64xi32, #tpu.memory_space<hbm>> -> memref<100x64xi32, #tpu.memory_space<hbm>>
      tpu.wait_dma2 semaphore(%run_scoped3A : memref<!tpu.dma_semaphore, #tpu.memory_space<semaphore_mem>>) src(%dma_wait3A_541 : memref<100x64xi32, #tpu.memory_space<hbm>>) dst(%arg5 : memref<100x64xi32, #tpu.memory_space<vmem>>)
      tpu.yield
    }) : () -> ()
    %dma_start3A = arith.constant 0 : i32
    %dma_start3A_3 = arith.constant 0 : i32
    %dma_start3A_4 = arith.constant 0 : i32
    %dma_start3A_5 = arith.constant 0 : i32
    %dma_start3A_6 = tpu.memref_slice %arg6[%dma_start3A_3, %dma_start3A_4, %dma_start3A_5] : memref<10x64x64xf32, #tpu.memory_space<vmem>> -> memref<1x64x64xf32, #tpu.memory_space<vmem>>
    %dma_start3A_7 = tpu.memref_squeeze %dma_start3A_6 : memref<1x64x64xf32, #tpu.memory_space<vmem>> -> memref<64x64xf32, #tpu.memory_space<vmem>>
    %dma_start3A_8 = arith.constant 0 : i32
    %dma_start3A_9 = tpu.memref_slice %arg5[%dma_start3A, %dma_start3A_8] : memref<100x64xi32, #tpu.memory_space<vmem>> -> memref<1x64xi32, #tpu.memory_space<vmem>>
    %dma_start3A_10 = tpu.memref_squeeze %dma_start3A_9 : memref<1x64xi32, #tpu.memory_space<vmem>> -> memref<64xi32, #tpu.memory_space<vmem>>
    %dma_start3A_11 = arith.constant 0 : i32
    %dma_start3A_12 = arith.constant 0 : i32
    %dma_start3A_13 = tpu.memref_slice %arg2[%dma_start3A_11, %dma_start3A_12] : memref<2000000x64xf32, #tpu.memory_space<hbm>> -> memref<2000000x64xf32, #tpu.memory_space<hbm>>
    tpu.enqueue_indirect_dma source(%dma_start3A_13 : memref<2000000x64xf32, #tpu.memory_space<hbm>>) target(%dma_start3A_7 : memref<64x64xf32, #tpu.memory_space<vmem>>) offsets(%dma_start3A_10 : memref<64xi32, #tpu.memory_space<vmem>>) semaphore(%arg7 : memref<!tpu.dma_semaphore, #tpu.memory_space<semaphore_mem>>)
    %dma_start3A_14 = arith.constant 1 : i32
    %dma_start3A_15 = arith.constant 1 : i32
    %dma_start3A_16 = arith.constant 0 : i32
    %dma_start3A_17 = arith.constant 0 : i32
    %dma_start3A_18 = tpu.memref_slice %arg6[%dma_start3A_15, %dma_start3A_16, %dma_start3A_17] : memref<10x64x64xf32, #tpu.memory_space<vmem>> -> memref<1x64x64xf32, #tpu.memory_space<vmem>>
    %dma_start3A_19 = tpu.memref_squeeze %dma_start3A_18 : memref<1x64x64xf32, #tpu.memory_space<vmem>> -> memref<64x64xf32, #tpu.memory_space<vmem>>
    %dma_start3A_20 = arith.constant 0 : i32
    %dma_start3A_21 = tpu.memref_slice %arg5[%dma_start3A_14, %dma_start3A_20] : memref<100x64xi32, #tpu.memory_space<vmem>> -> memref<1x64xi32, #tpu.memory_space<vmem>>
    %dma_start3A_22 = tpu.memref_squeeze %dma_start3A_21 : memref<1x64xi32, #tpu.memory_space<vmem>> -> memref<64xi32, #tpu.memory_space<vmem>>
    %dma_start3A_23 = arith.constant 0 : i32
    %dma_start3A_24 = arith.constant 0 : i32
    %dma_start3A_25 = tpu.memref_slice %arg2[%dma_start3A_23, %dma_start3A_24] : memref<2000000x64xf32, #tpu.memory_space<hbm>> -> memref<2000000x64xf32, #tpu.memory_space<hbm>>
    tpu.enqueue_indirect_dma source(%dma_start3A_25 : memref<2000000x64xf32, #tpu.memory_space<hbm>>) target(%dma_start3A_19 : memref<64x64xf32, #tpu.memory_space<vmem>>) offsets(%dma_start3A_22 : memref<64xi32, #tpu.memory_space<vmem>>) semaphore(%arg8 : memref<!tpu.dma_semaphore, #tpu.memory_space<semaphore_mem>>)
    %dma_start3A_26 = arith.constant 2 : i32
    %dma_start3A_27 = arith.constant 2 : i32
    %dma_start3A_28 = arith.constant 0 : i32
    %dma_start3A_29 = arith.constant 0 : i32
    %dma_start3A_30 = tpu.memref_slice %arg6[%dma_start3A_27, %dma_start3A_28, %dma_start3A_29] : memref<10x64x64xf32, #tpu.memory_space<vmem>> -> memref<1x64x64xf32, #tpu.memory_space<vmem>>
    %dma_start3A_31 = tpu.memref_squeeze %dma_start3A_30 : memref<1x64x64xf32, #tpu.memory_space<vmem>> -> memref<64x64xf32, #tpu.memory_space<vmem>>
    %dma_start3A_32 = arith.constant 0 : i32
    %dma_start3A_33 = tpu.memref_slice %arg5[%dma_start3A_26, %dma_start3A_32] : memref<100x64xi32, #tpu.memory_space<vmem>> -> memref<1x64xi32, #tpu.memory_space<vmem>>
    %dma_start3A_34 = tpu.memref_squeeze %dma_start3A_33 : memref<1x64xi32, #tpu.memory_space<vmem>> -> memref<64xi32, #tpu.memory_space<vmem>>
    %dma_start3A_35 = arith.constant 0 : i32
    %dma_start3A_36 = arith.constant 0 : i32
    %dma_start3A_37 = tpu.memref_slice %arg2[%dma_start3A_35, %dma_start3A_36] : memref<2000000x64xf32, #tpu.memory_space<hbm>> -> memref<2000000x64xf32, #tpu.memory_space<hbm>>
    tpu.enqueue_indirect_dma source(%dma_start3A_37 : memref<2000000x64xf32, #tpu.memory_space<hbm>>) target(%dma_start3A_31 : memref<64x64xf32, #tpu.memory_space<vmem>>) offsets(%dma_start3A_34 : memref<64xi32, #tpu.memory_space<vmem>>) semaphore(%arg9 : memref<!tpu.dma_semaphore, #tpu.memory_space<semaphore_mem>>)
    %dma_start3A_38 = arith.constant 3 : i32
    %dma_start3A_39 = arith.constant 3 : i32
    %dma_start3A_40 = arith.constant 0 : i32
    %dma_start3A_41 = arith.constant 0 : i32
    %dma_start3A_42 = tpu.memref_slice %arg6[%dma_start3A_39, %dma_start3A_40, %dma_start3A_41] : memref<10x64x64xf32, #tpu.memory_space<vmem>> -> memref<1x64x64xf32, #tpu.memory_space<vmem>>
    %dma_start3A_43 = tpu.memref_squeeze %dma_start3A_42 : memref<1x64x64xf32, #tpu.memory_space<vmem>> -> memref<64x64xf32, #tpu.memory_space<vmem>>
    %dma_start3A_44 = arith.constant 0 : i32
    %dma_start3A_45 = tpu.memref_slice %arg5[%dma_start3A_38, %dma_start3A_44] : memref<100x64xi32, #tpu.memory_space<vmem>> -> memref<1x64xi32, #tpu.memory_space<vmem>>
    %dma_start3A_46 = tpu.memref_squeeze %dma_start3A_45 : memref<1x64xi32, #tpu.memory_space<vmem>> -> memref<64xi32, #tpu.memory_space<vmem>>
    %dma_start3A_47 = arith.constant 0 : i32
    %dma_start3A_48 = arith.constant 0 : i32
    %dma_start3A_49 = tpu.memref_slice %arg2[%dma_start3A_47, %dma_start3A_48] : memref<2000000x64xf32, #tpu.memory_space<hbm>> -> memref<2000000x64xf32, #tpu.memory_space<hbm>>
    tpu.enqueue_indirect_dma source(%dma_start3A_49 : memref<2000000x64xf32, #tpu.memory_space<hbm>>) target(%dma_start3A_43 : memref<64x64xf32, #tpu.memory_space<vmem>>) offsets(%dma_start3A_46 : memref<64xi32, #tpu.memory_space<vmem>>) semaphore(%arg10 : memref<!tpu.dma_semaphore, #tpu.memory_space<semaphore_mem>>)
    %dma_start3A_50 = arith.constant 4 : i32
    %dma_start3A_51 = arith.constant 4 : i32
    %dma_start3A_52 = arith.constant 0 : i32
    %dma_start3A_53 = arith.constant 0 : i32
    %dma_start3A_54 = tpu.memref_slice %arg6[%dma_start3A_51, %dma_start3A_52, %dma_start3A_53] : memref<10x64x64xf32, #tpu.memory_space<vmem>> -> memref<1x64x64xf32, #tpu.memory_space<vmem>>
    %dma_start3A_55 = tpu.memref_squeeze %dma_start3A_54 : memref<1x64x64xf32, #tpu.memory_space<vmem>> -> memref<64x64xf32, #tpu.memory_space<vmem>>
    %dma_start3A_56 = arith.constant 0 : i32
    %dma_start3A_57 = tpu.memref_slice %arg5[%dma_start3A_50, %dma_start3A_56] : memref<100x64xi32, #tpu.memory_space<vmem>> -> memref<1x64xi32, #tpu.memory_space<vmem>>
    %dma_start3A_58 = tpu.memref_squeeze %dma_start3A_57 : memref<1x64xi32, #tpu.memory_space<vmem>> -> memref<64xi32, #tpu.memory_space<vmem>>
    %dma_start3A_59 = arith.constant 0 : i32
    %dma_start3A_60 = arith.constant 0 : i32
    %dma_start3A_61 = tpu.memref_slice %arg2[%dma_start3A_59, %dma_start3A_60] : memref<2000000x64xf32, #tpu.memory_space<hbm>> -> memref<2000000x64xf32, #tpu.memory_space<hbm>>
    tpu.enqueue_indirect_dma source(%dma_start3A_61 : memref<2000000x64xf32, #tpu.memory_space<hbm>>) target(%dma_start3A_55 : memref<64x64xf32, #tpu.memory_space<vmem>>) offsets(%dma_start3A_58 : memref<64xi32, #tpu.memory_space<vmem>>) semaphore(%arg11 : memref<!tpu.dma_semaphore, #tpu.memory_space<semaphore_mem>>)
    %dma_start3A_62 = arith.constant 5 : i32
    %dma_start3A_63 = arith.constant 5 : i32
    %dma_start3A_64 = arith.constant 0 : i32
    %dma_start3A_65 = arith.constant 0 : i32
    %dma_start3A_66 = tpu.memref_slice %arg6[%dma_start3A_63, %dma_start3A_64, %dma_start3A_65] : memref<10x64x64xf32, #tpu.memory_space<vmem>> -> memref<1x64x64xf32, #tpu.memory_space<vmem>>
    %dma_start3A_67 = tpu.memref_squeeze %dma_start3A_66 : memref<1x64x64xf32, #tpu.memory_space<vmem>> -> memref<64x64xf32, #tpu.memory_space<vmem>>
    %dma_start3A_68 = arith.constant 0 : i32
    %dma_start3A_69 = tpu.memref_slice %arg5[%dma_start3A_62, %dma_start3A_68] : memref<100x64xi32, #tpu.memory_space<vmem>> -> memref<1x64xi32, #tpu.memory_space<vmem>>
    %dma_start3A_70 = tpu.memref_squeeze %dma_start3A_69 : memref<1x64xi32, #tpu.memory_space<vmem>> -> memref<64xi32, #tpu.memory_space<vmem>>
    %dma_start3A_71 = arith.constant 0 : i32
    %dma_start3A_72 = arith.constant 0 : i32
    %dma_start3A_73 = tpu.memref_slice %arg2[%dma_start3A_71, %dma_start3A_72] : memref<2000000x64xf32, #tpu.memory_space<hbm>> -> memref<2000000x64xf32, #tpu.memory_space<hbm>>
    tpu.enqueue_indirect_dma source(%dma_start3A_73 : memref<2000000x64xf32, #tpu.memory_space<hbm>>) target(%dma_start3A_67 : memref<64x64xf32, #tpu.memory_space<vmem>>) offsets(%dma_start3A_70 : memref<64xi32, #tpu.memory_space<vmem>>) semaphore(%arg12 : memref<!tpu.dma_semaphore, #tpu.memory_space<semaphore_mem>>)
    %dma_start3A_74 = arith.constant 6 : i32
    %dma_start3A_75 = arith.constant 6 : i32
    %dma_start3A_76 = arith.constant 0 : i32
    %dma_start3A_77 = arith.constant 0 : i32
    %dma_start3A_78 = tpu.memref_slice %arg6[%dma_start3A_75, %dma_start3A_76, %dma_start3A_77] : memref<10x64x64xf32, #tpu.memory_space<vmem>> -> memref<1x64x64xf32, #tpu.memory_space<vmem>>
    %dma_start3A_79 = tpu.memref_squeeze %dma_start3A_78 : memref<1x64x64xf32, #tpu.memory_space<vmem>> -> memref<64x64xf32, #tpu.memory_space<vmem>>
    %dma_start3A_80 = arith.constant 0 : i32
    %dma_start3A_81 = tpu.memref_slice %arg5[%dma_start3A_74, %dma_start3A_80] : memref<100x64xi32, #tpu.memory_space<vmem>> -> memref<1x64xi32, #tpu.memory_space<vmem>>
    %dma_start3A_82 = tpu.memref_squeeze %dma_start3A_81 : memref<1x64xi32, #tpu.memory_space<vmem>> -> memref<64xi32, #tpu.memory_space<vmem>>
    %dma_start3A_83 = arith.constant 0 : i32
    %dma_start3A_84 = arith.constant 0 : i32
    %dma_start3A_85 = tpu.memref_slice %arg2[%dma_start3A_83, %dma_start3A_84] : memref<2000000x64xf32, #tpu.memory_space<hbm>> -> memref<2000000x64xf32, #tpu.memory_space<hbm>>
    tpu.enqueue_indirect_dma source(%dma_start3A_85 : memref<2000000x64xf32, #tpu.memory_space<hbm>>) target(%dma_start3A_79 : memref<64x64xf32, #tpu.memory_space<vmem>>) offsets(%dma_start3A_82 : memref<64xi32, #tpu.memory_space<vmem>>) semaphore(%arg13 : memref<!tpu.dma_semaphore, #tpu.memory_space<semaphore_mem>>)
    %dma_start3A_86 = arith.constant 7 : i32
    %dma_start3A_87 = arith.constant 7 : i32
    %dma_start3A_88 = arith.constant 0 : i32
    %dma_start3A_89 = arith.constant 0 : i32
    %dma_start3A_90 = tpu.memref_slice %arg6[%dma_start3A_87, %dma_start3A_88, %dma_start3A_89] : memref<10x64x64xf32, #tpu.memory_space<vmem>> -> memref<1x64x64xf32, #tpu.memory_space<vmem>>
    %dma_start3A_91 = tpu.memref_squeeze %dma_start3A_90 : memref<1x64x64xf32, #tpu.memory_space<vmem>> -> memref<64x64xf32, #tpu.memory_space<vmem>>
    %dma_start3A_92 = arith.constant 0 : i32
    %dma_start3A_93 = tpu.memref_slice %arg5[%dma_start3A_86, %dma_start3A_92] : memref<100x64xi32, #tpu.memory_space<vmem>> -> memref<1x64xi32, #tpu.memory_space<vmem>>
    %dma_start3A_94 = tpu.memref_squeeze %dma_start3A_93 : memref<1x64xi32, #tpu.memory_space<vmem>> -> memref<64xi32, #tpu.memory_space<vmem>>
    %dma_start3A_95 = arith.constant 0 : i32
    %dma_start3A_96 = arith.constant 0 : i32
    %dma_start3A_97 = tpu.memref_slice %arg2[%dma_start3A_95, %dma_start3A_96] : memref<2000000x64xf32, #tpu.memory_space<hbm>> -> memref<2000000x64xf32, #tpu.memory_space<hbm>>
    tpu.enqueue_indirect_dma source(%dma_start3A_97 : memref<2000000x64xf32, #tpu.memory_space<hbm>>) target(%dma_start3A_91 : memref<64x64xf32, #tpu.memory_space<vmem>>) offsets(%dma_start3A_94 : memref<64xi32, #tpu.memory_space<vmem>>) semaphore(%arg14 : memref<!tpu.dma_semaphore, #tpu.memory_space<semaphore_mem>>)
    %dma_start3A_98 = arith.constant 8 : i32
    %dma_start3A_99 = arith.constant 8 : i32
    %dma_start3A_100 = arith.constant 0 : i32
    %dma_start3A_101 = arith.constant 0 : i32
    %dma_start3A_102 = tpu.memref_slice %arg6[%dma_start3A_99, %dma_start3A_100, %dma_start3A_101] : memref<10x64x64xf32, #tpu.memory_space<vmem>> -> memref<1x64x64xf32, #tpu.memory_space<vmem>>
    %dma_start3A_103 = tpu.memref_squeeze %dma_start3A_102 : memref<1x64x64xf32, #tpu.memory_space<vmem>> -> memref<64x64xf32, #tpu.memory_space<vmem>>
    %dma_start3A_104 = arith.constant 0 : i32
    %dma_start3A_105 = tpu.memref_slice %arg5[%dma_start3A_98, %dma_start3A_104] : memref<100x64xi32, #tpu.memory_space<vmem>> -> memref<1x64xi32, #tpu.memory_space<vmem>>
    %dma_start3A_106 = tpu.memref_squeeze %dma_start3A_105 : memref<1x64xi32, #tpu.memory_space<vmem>> -> memref<64xi32, #tpu.memory_space<vmem>>
    %dma_start3A_107 = arith.constant 0 : i32
    %dma_start3A_108 = arith.constant 0 : i32
    %dma_start3A_109 = tpu.memref_slice %arg2[%dma_start3A_107, %dma_start3A_108] : memref<2000000x64xf32, #tpu.memory_space<hbm>> -> memref<2000000x64xf32, #tpu.memory_space<hbm>>
    tpu.enqueue_indirect_dma source(%dma_start3A_109 : memref<2000000x64xf32, #tpu.memory_space<hbm>>) target(%dma_start3A_103 : memref<64x64xf32, #tpu.memory_space<vmem>>) offsets(%dma_start3A_106 : memref<64xi32, #tpu.memory_space<vmem>>) semaphore(%arg15 : memref<!tpu.dma_semaphore, #tpu.memory_space<semaphore_mem>>)
    %dma_start3A_110 = arith.constant 9 : i32
    %dma_start3A_111 = arith.constant 9 : i32
    %dma_start3A_112 = arith.constant 0 : i32
    %dma_start3A_113 = arith.constant 0 : i32
    %dma_start3A_114 = tpu.memref_slice %arg6[%dma_start3A_111, %dma_start3A_112, %dma_start3A_113] : memref<10x64x64xf32, #tpu.memory_space<vmem>> -> memref<1x64x64xf32, #tpu.memory_space<vmem>>
    %dma_start3A_115 = tpu.memref_squeeze %dma_start3A_114 : memref<1x64x64xf32, #tpu.memory_space<vmem>> -> memref<64x64xf32, #tpu.memory_space<vmem>>
    %dma_start3A_116 = arith.constant 0 : i32
    %dma_start3A_117 = tpu.memref_slice %arg5[%dma_start3A_110, %dma_start3A_116] : memref<100x64xi32, #tpu.memory_space<vmem>> -> memref<1x64xi32, #tpu.memory_space<vmem>>
    %dma_start3A_118 = tpu.memref_squeeze %dma_start3A_117 : memref<1x64xi32, #tpu.memory_space<vmem>> -> memref<64xi32, #tpu.memory_space<vmem>>
    %dma_start3A_119 = arith.constant 0 : i32
    %dma_start3A_120 = arith.constant 0 : i32
    %dma_start3A_121 = tpu.memref_slice %arg2[%dma_start3A_119, %dma_start3A_120] : memref<2000000x64xf32, #tpu.memory_space<hbm>> -> memref<2000000x64xf32, #tpu.memory_space<hbm>>
    tpu.enqueue_indirect_dma source(%dma_start3A_121 : memref<2000000x64xf32, #tpu.memory_space<hbm>>) target(%dma_start3A_115 : memref<64x64xf32, #tpu.memory_space<vmem>>) offsets(%dma_start3A_118 : memref<64xi32, #tpu.memory_space<vmem>>) semaphore(%arg16 : memref<!tpu.dma_semaphore, #tpu.memory_space<semaphore_mem>>)
    %scan3A = arith.constant 0 : i32
    %scan3A_122 = arith.constant 0 : i32
    %scan3A_123 = arith.constant 9 : i32
    %scan3A_124 = arith.addi %scan3A_122, %scan3A_123 : i32
    %scan3A_125 = arith.constant 1 : i32
    scf.for %scan3A_526 = %scan3A_122 to %scan3A_124 step %scan3A_125  : i32 {
      %dma_wait3A_527 = arith.constant 0 : i32
      %dma_wait3A_528 = arith.constant 0 : i32
      %dma_wait3A_529 = arith.constant 0 : i32
      %dma_wait3A_530 = arith.constant 0 : i32
      %dma_wait3A_531 = tpu.memref_slice %arg6[%dma_wait3A_528, %dma_wait3A_529, %dma_wait3A_530] : memref<10x64x64xf32, #tpu.memory_space<vmem>> -> memref<1x64x64xf32, #tpu.memory_space<vmem>>
      %dma_wait3A_532 = tpu.memref_squeeze %dma_wait3A_531 : memref<1x64x64xf32, #tpu.memory_space<vmem>> -> memref<64x64xf32, #tpu.memory_space<vmem>>
      %dma_wait3A_533 = arith.constant 0 : i32
      %dma_wait3A_534 = tpu.memref_slice %arg5[%dma_wait3A_527, %dma_wait3A_533] : memref<100x64xi32, #tpu.memory_space<vmem>> -> memref<1x64xi32, #tpu.memory_space<vmem>>
      %dma_wait3A_535 = tpu.memref_squeeze %dma_wait3A_534 : memref<1x64xi32, #tpu.memory_space<vmem>> -> memref<64xi32, #tpu.memory_space<vmem>>
      %dma_wait3A_536 = arith.constant 0 : i32
      %dma_wait3A_537 = arith.constant 0 : i32
      %dma_wait3A_538 = tpu.memref_slice %arg2[%dma_wait3A_536, %dma_wait3A_537] : memref<2000000x64xf32, #tpu.memory_space<hbm>> -> memref<2000000x64xf32, #tpu.memory_space<hbm>>
      tpu.wait_indirect_dma semaphore(%arg7 : memref<!tpu.dma_semaphore, #tpu.memory_space<semaphore_mem>>) src(%dma_wait3A_538 : memref<2000000x64xf32, #tpu.memory_space<hbm>>) dst(%dma_wait3A_532 : memref<64x64xf32, #tpu.memory_space<vmem>>)
      %mul3A_539 = arith.constant 10 : i32
      %mul3A_540 = arith.muli %scan3A_526, %mul3A_539 : i32
      %add3A_541 = arith.constant 0 : i32
      %add3A_542 = arith.addi %mul3A_540, %add3A_541 : i32
      %mul3A_543 = arith.constant 64 : i32
      %mul3A_544 = arith.muli %add3A_542, %mul3A_543 : i32
      %add3A_545 = arith.addi %mul3A_2, %mul3A_544 : i32
      %dma_start3A_546 = arith.constant 0 : i32
      %dma_start3A_547 = arith.constant 0 : i32
      %dma_start3A_548 = arith.constant 0 : i32
      %dma_start3A_549 = tpu.memref_slice %arg6[%dma_start3A_546, %dma_start3A_547, %dma_start3A_548] : memref<10x64x64xf32, #tpu.memory_space<vmem>> -> memref<1x64x64xf32, #tpu.memory_space<vmem>>
      %dma_start3A_550 = tpu.memref_squeeze %dma_start3A_549 : memref<1x64x64xf32, #tpu.memory_space<vmem>> -> memref<64x64xf32, #tpu.memory_space<vmem>>
      %dma_start3A_551 = arith.constant 0 : i32
      %dma_start3A_552 = tpu.memref_slice %arg4[%add3A_545, %dma_start3A_551] : memref<204800x64xf32, #tpu.memory_space<hbm>> -> memref<64x64xf32, #tpu.memory_space<hbm>>
      %dma_start3A_553 = arith.constant 0 : i32
      %dma_start3A_554 = tpu.memref_slice %arg4[%add3A_545, %dma_start3A_553] : memref<204800x64xf32, #tpu.memory_space<hbm>> -> memref<64x64xf32, #tpu.memory_space<hbm>>
      %dma_start3A_555 = arith.constant 0 : i32
      %dma_start3A_556 = arith.constant 0 : i32
      %dma_start3A_557 = tpu.memref_slice %arg6[%dma_start3A_546, %dma_start3A_555, %dma_start3A_556] : memref<10x64x64xf32, #tpu.memory_space<vmem>> -> memref<1x64x64xf32, #tpu.memory_space<vmem>>
      %dma_start3A_558 = tpu.memref_squeeze %dma_start3A_557 : memref<1x64x64xf32, #tpu.memory_space<vmem>> -> memref<64x64xf32, #tpu.memory_space<vmem>>
      tpu.enqueue_dma source(%dma_start3A_558 : memref<64x64xf32, #tpu.memory_space<vmem>>) target(%dma_start3A_554 : memref<64x64xf32, #tpu.memory_space<hbm>>) target_semaphore(%arg17 : memref<!tpu.dma_semaphore, #tpu.memory_space<semaphore_mem>>)
      %dma_wait3A_559 = arith.constant 0 : i32
      %dma_wait3A_560 = arith.constant 1 : i32
      %dma_wait3A_561 = arith.constant 0 : i32
      %dma_wait3A_562 = arith.constant 0 : i32
      %dma_wait3A_563 = tpu.memref_slice %arg6[%dma_wait3A_560, %dma_wait3A_561, %dma_wait3A_562] : memref<10x64x64xf32, #tpu.memory_space<vmem>> -> memref<1x64x64xf32, #tpu.memory_space<vmem>>
      %dma_wait3A_564 = tpu.memref_squeeze %dma_wait3A_563 : memref<1x64x64xf32, #tpu.memory_space<vmem>> -> memref<64x64xf32, #tpu.memory_space<vmem>>
      %dma_wait3A_565 = arith.constant 0 : i32
      %dma_wait3A_566 = tpu.memref_slice %arg5[%dma_wait3A_559, %dma_wait3A_565] : memref<100x64xi32, #tpu.memory_space<vmem>> -> memref<1x64xi32, #tpu.memory_space<vmem>>
      %dma_wait3A_567 = tpu.memref_squeeze %dma_wait3A_566 : memref<1x64xi32, #tpu.memory_space<vmem>> -> memref<64xi32, #tpu.memory_space<vmem>>
      %dma_wait3A_568 = arith.constant 0 : i32
      %dma_wait3A_569 = arith.constant 0 : i32
      %dma_wait3A_570 = tpu.memref_slice %arg2[%dma_wait3A_568, %dma_wait3A_569] : memref<2000000x64xf32, #tpu.memory_space<hbm>> -> memref<2000000x64xf32, #tpu.memory_space<hbm>>
      tpu.wait_indirect_dma semaphore(%arg8 : memref<!tpu.dma_semaphore, #tpu.memory_space<semaphore_mem>>) src(%dma_wait3A_570 : memref<2000000x64xf32, #tpu.memory_space<hbm>>) dst(%dma_wait3A_564 : memref<64x64xf32, #tpu.memory_space<vmem>>)
      %mul3A_571 = arith.constant 10 : i32
      %mul3A_572 = arith.muli %scan3A_526, %mul3A_571 : i32
      %add3A_573 = arith.constant 1 : i32
      %add3A_574 = arith.addi %mul3A_572, %add3A_573 : i32
      %mul3A_575 = arith.constant 64 : i32
      %mul3A_576 = arith.muli %add3A_574, %mul3A_575 : i32
      %add3A_577 = arith.addi %mul3A_2, %mul3A_576 : i32
      %dma_start3A_578 = arith.constant 1 : i32
      %dma_start3A_579 = arith.constant 0 : i32
      %dma_start3A_580 = arith.constant 0 : i32
      %dma_start3A_581 = tpu.memref_slice %arg6[%dma_start3A_578, %dma_start3A_579, %dma_start3A_580] : memref<10x64x64xf32, #tpu.memory_space<vmem>> -> memref<1x64x64xf32, #tpu.memory_space<vmem>>
      %dma_start3A_582 = tpu.memref_squeeze %dma_start3A_581 : memref<1x64x64xf32, #tpu.memory_space<vmem>> -> memref<64x64xf32, #tpu.memory_space<vmem>>
      %dma_start3A_583 = arith.constant 0 : i32
      %dma_start3A_584 = tpu.memref_slice %arg4[%add3A_577, %dma_start3A_583] : memref<204800x64xf32, #tpu.memory_space<hbm>> -> memref<64x64xf32, #tpu.memory_space<hbm>>
      %dma_start3A_585 = arith.constant 0 : i32
      %dma_start3A_586 = tpu.memref_slice %arg4[%add3A_577, %dma_start3A_585] : memref<204800x64xf32, #tpu.memory_space<hbm>> -> memref<64x64xf32, #tpu.memory_space<hbm>>
      %dma_start3A_587 = arith.constant 0 : i32
      %dma_start3A_588 = arith.constant 0 : i32
      %dma_start3A_589 = tpu.memref_slice %arg6[%dma_start3A_578, %dma_start3A_587, %dma_start3A_588] : memref<10x64x64xf32, #tpu.memory_space<vmem>> -> memref<1x64x64xf32, #tpu.memory_space<vmem>>
      %dma_start3A_590 = tpu.memref_squeeze %dma_start3A_589 : memref<1x64x64xf32, #tpu.memory_space<vmem>> -> memref<64x64xf32, #tpu.memory_space<vmem>>
      tpu.enqueue_dma source(%dma_start3A_590 : memref<64x64xf32, #tpu.memory_space<vmem>>) target(%dma_start3A_586 : memref<64x64xf32, #tpu.memory_space<hbm>>) target_semaphore(%arg18 : memref<!tpu.dma_semaphore, #tpu.memory_space<semaphore_mem>>)
      %dma_wait3A_591 = arith.constant 0 : i32
      %dma_wait3A_592 = arith.constant 2 : i32
      %dma_wait3A_593 = arith.constant 0 : i32
      %dma_wait3A_594 = arith.constant 0 : i32
      %dma_wait3A_595 = tpu.memref_slice %arg6[%dma_wait3A_592, %dma_wait3A_593, %dma_wait3A_594] : memref<10x64x64xf32, #tpu.memory_space<vmem>> -> memref<1x64x64xf32, #tpu.memory_space<vmem>>
      %dma_wait3A_596 = tpu.memref_squeeze %dma_wait3A_595 : memref<1x64x64xf32, #tpu.memory_space<vmem>> -> memref<64x64xf32, #tpu.memory_space<vmem>>
      %dma_wait3A_597 = arith.constant 0 : i32
      %dma_wait3A_598 = tpu.memref_slice %arg5[%dma_wait3A_591, %dma_wait3A_597] : memref<100x64xi32, #tpu.memory_space<vmem>> -> memref<1x64xi32, #tpu.memory_space<vmem>>
      %dma_wait3A_599 = tpu.memref_squeeze %dma_wait3A_598 : memref<1x64xi32, #tpu.memory_space<vmem>> -> memref<64xi32, #tpu.memory_space<vmem>>
      %dma_wait3A_600 = arith.constant 0 : i32
      %dma_wait3A_601 = arith.constant 0 : i32
      %dma_wait3A_602 = tpu.memref_slice %arg2[%dma_wait3A_600, %dma_wait3A_601] : memref<2000000x64xf32, #tpu.memory_space<hbm>> -> memref<2000000x64xf32, #tpu.memory_space<hbm>>
      tpu.wait_indirect_dma semaphore(%arg9 : memref<!tpu.dma_semaphore, #tpu.memory_space<semaphore_mem>>) src(%dma_wait3A_602 : memref<2000000x64xf32, #tpu.memory_space<hbm>>) dst(%dma_wait3A_596 : memref<64x64xf32, #tpu.memory_space<vmem>>)
      %mul3A_603 = arith.constant 10 : i32
      %mul3A_604 = arith.muli %scan3A_526, %mul3A_603 : i32
      %add3A_605 = arith.constant 2 : i32
      %add3A_606 = arith.addi %mul3A_604, %add3A_605 : i32
      %mul3A_607 = arith.constant 64 : i32
      %mul3A_608 = arith.muli %add3A_606, %mul3A_607 : i32
      %add3A_609 = arith.addi %mul3A_2, %mul3A_608 : i32
      %dma_start3A_610 = arith.constant 2 : i32
      %dma_start3A_611 = arith.constant 0 : i32
      %dma_start3A_612 = arith.constant 0 : i32
      %dma_start3A_613 = tpu.memref_slice %arg6[%dma_start3A_610, %dma_start3A_611, %dma_start3A_612] : memref<10x64x64xf32, #tpu.memory_space<vmem>> -> memref<1x64x64xf32, #tpu.memory_space<vmem>>
      %dma_start3A_614 = tpu.memref_squeeze %dma_start3A_613 : memref<1x64x64xf32, #tpu.memory_space<vmem>> -> memref<64x64xf32, #tpu.memory_space<vmem>>
      %dma_start3A_615 = arith.constant 0 : i32
      %dma_start3A_616 = tpu.memref_slice %arg4[%add3A_609, %dma_start3A_615] : memref<204800x64xf32, #tpu.memory_space<hbm>> -> memref<64x64xf32, #tpu.memory_space<hbm>>
      %dma_start3A_617 = arith.constant 0 : i32
      %dma_start3A_618 = tpu.memref_slice %arg4[%add3A_609, %dma_start3A_617] : memref<204800x64xf32, #tpu.memory_space<hbm>> -> memref<64x64xf32, #tpu.memory_space<hbm>>
      %dma_start3A_619 = arith.constant 0 : i32
      %dma_start3A_620 = arith.constant 0 : i32
      %dma_start3A_621 = tpu.memref_slice %arg6[%dma_start3A_610, %dma_start3A_619, %dma_start3A_620] : memref<10x64x64xf32, #tpu.memory_space<vmem>> -> memref<1x64x64xf32, #tpu.memory_space<vmem>>
      %dma_start3A_622 = tpu.memref_squeeze %dma_start3A_621 : memref<1x64x64xf32, #tpu.memory_space<vmem>> -> memref<64x64xf32, #tpu.memory_space<vmem>>
      tpu.enqueue_dma source(%dma_start3A_622 : memref<64x64xf32, #tpu.memory_space<vmem>>) target(%dma_start3A_618 : memref<64x64xf32, #tpu.memory_space<hbm>>) target_semaphore(%arg19 : memref<!tpu.dma_semaphore, #tpu.memory_space<semaphore_mem>>)
      %dma_wait3A_623 = arith.constant 0 : i32
      %dma_wait3A_624 = arith.constant 3 : i32
      %dma_wait3A_625 = arith.constant 0 : i32
      %dma_wait3A_626 = arith.constant 0 : i32
      %dma_wait3A_627 = tpu.memref_slice %arg6[%dma_wait3A_624, %dma_wait3A_625, %dma_wait3A_626] : memref<10x64x64xf32, #tpu.memory_space<vmem>> -> memref<1x64x64xf32, #tpu.memory_space<vmem>>
      %dma_wait3A_628 = tpu.memref_squeeze %dma_wait3A_627 : memref<1x64x64xf32, #tpu.memory_space<vmem>> -> memref<64x64xf32, #tpu.memory_space<vmem>>
      %dma_wait3A_629 = arith.constant 0 : i32
      %dma_wait3A_630 = tpu.memref_slice %arg5[%dma_wait3A_623, %dma_wait3A_629] : memref<100x64xi32, #tpu.memory_space<vmem>> -> memref<1x64xi32, #tpu.memory_space<vmem>>
      %dma_wait3A_631 = tpu.memref_squeeze %dma_wait3A_630 : memref<1x64xi32, #tpu.memory_space<vmem>> -> memref<64xi32, #tpu.memory_space<vmem>>
      %dma_wait3A_632 = arith.constant 0 : i32
      %dma_wait3A_633 = arith.constant 0 : i32
      %dma_wait3A_634 = tpu.memref_slice %arg2[%dma_wait3A_632, %dma_wait3A_633] : memref<2000000x64xf32, #tpu.memory_space<hbm>> -> memref<2000000x64xf32, #tpu.memory_space<hbm>>
      tpu.wait_indirect_dma semaphore(%arg10 : memref<!tpu.dma_semaphore, #tpu.memory_space<semaphore_mem>>) src(%dma_wait3A_634 : memref<2000000x64xf32, #tpu.memory_space<hbm>>) dst(%dma_wait3A_628 : memref<64x64xf32, #tpu.memory_space<vmem>>)
      %mul3A_635 = arith.constant 10 : i32
      %mul3A_636 = arith.muli %scan3A_526, %mul3A_635 : i32
      %add3A_637 = arith.constant 3 : i32
      %add3A_638 = arith.addi %mul3A_636, %add3A_637 : i32
      %mul3A_639 = arith.constant 64 : i32
      %mul3A_640 = arith.muli %add3A_638, %mul3A_639 : i32
      %add3A_641 = arith.addi %mul3A_2, %mul3A_640 : i32
      %dma_start3A_642 = arith.constant 3 : i32
      %dma_start3A_643 = arith.constant 0 : i32
      %dma_start3A_644 = arith.constant 0 : i32
      %dma_start3A_645 = tpu.memref_slice %arg6[%dma_start3A_642, %dma_start3A_643, %dma_start3A_644] : memref<10x64x64xf32, #tpu.memory_space<vmem>> -> memref<1x64x64xf32, #tpu.memory_space<vmem>>
      %dma_start3A_646 = tpu.memref_squeeze %dma_start3A_645 : memref<1x64x64xf32, #tpu.memory_space<vmem>> -> memref<64x64xf32, #tpu.memory_space<vmem>>
      %dma_start3A_647 = arith.constant 0 : i32
      %dma_start3A_648 = tpu.memref_slice %arg4[%add3A_641, %dma_start3A_647] : memref<204800x64xf32, #tpu.memory_space<hbm>> -> memref<64x64xf32, #tpu.memory_space<hbm>>
      %dma_start3A_649 = arith.constant 0 : i32
      %dma_start3A_650 = tpu.memref_slice %arg4[%add3A_641, %dma_start3A_649] : memref<204800x64xf32, #tpu.memory_space<hbm>> -> memref<64x64xf32, #tpu.memory_space<hbm>>
      %dma_start3A_651 = arith.constant 0 : i32
      %dma_start3A_652 = arith.constant 0 : i32
      %dma_start3A_653 = tpu.memref_slice %arg6[%dma_start3A_642, %dma_start3A_651, %dma_start3A_652] : memref<10x64x64xf32, #tpu.memory_space<vmem>> -> memref<1x64x64xf32, #tpu.memory_space<vmem>>
      %dma_start3A_654 = tpu.memref_squeeze %dma_start3A_653 : memref<1x64x64xf32, #tpu.memory_space<vmem>> -> memref<64x64xf32, #tpu.memory_space<vmem>>
      tpu.enqueue_dma source(%dma_start3A_654 : memref<64x64xf32, #tpu.memory_space<vmem>>) target(%dma_start3A_650 : memref<64x64xf32, #tpu.memory_space<hbm>>) target_semaphore(%arg20 : memref<!tpu.dma_semaphore, #tpu.memory_space<semaphore_mem>>)
      %dma_wait3A_655 = arith.constant 0 : i32
      %dma_wait3A_656 = arith.constant 4 : i32
      %dma_wait3A_657 = arith.constant 0 : i32
      %dma_wait3A_658 = arith.constant 0 : i32
      %dma_wait3A_659 = tpu.memref_slice %arg6[%dma_wait3A_656, %dma_wait3A_657, %dma_wait3A_658] : memref<10x64x64xf32, #tpu.memory_space<vmem>> -> memref<1x64x64xf32, #tpu.memory_space<vmem>>
      %dma_wait3A_660 = tpu.memref_squeeze %dma_wait3A_659 : memref<1x64x64xf32, #tpu.memory_space<vmem>> -> memref<64x64xf32, #tpu.memory_space<vmem>>
      %dma_wait3A_661 = arith.constant 0 : i32
      %dma_wait3A_662 = tpu.memref_slice %arg5[%dma_wait3A_655, %dma_wait3A_661] : memref<100x64xi32, #tpu.memory_space<vmem>> -> memref<1x64xi32, #tpu.memory_space<vmem>>
      %dma_wait3A_663 = tpu.memref_squeeze %dma_wait3A_662 : memref<1x64xi32, #tpu.memory_space<vmem>> -> memref<64xi32, #tpu.memory_space<vmem>>
      %dma_wait3A_664 = arith.constant 0 : i32
      %dma_wait3A_665 = arith.constant 0 : i32
      %dma_wait3A_666 = tpu.memref_slice %arg2[%dma_wait3A_664, %dma_wait3A_665] : memref<2000000x64xf32, #tpu.memory_space<hbm>> -> memref<2000000x64xf32, #tpu.memory_space<hbm>>
      tpu.wait_indirect_dma semaphore(%arg11 : memref<!tpu.dma_semaphore, #tpu.memory_space<semaphore_mem>>) src(%dma_wait3A_666 : memref<2000000x64xf32, #tpu.memory_space<hbm>>) dst(%dma_wait3A_660 : memref<64x64xf32, #tpu.memory_space<vmem>>)
      %mul3A_667 = arith.constant 10 : i32
      %mul3A_668 = arith.muli %scan3A_526, %mul3A_667 : i32
      %add3A_669 = arith.constant 4 : i32
      %add3A_670 = arith.addi %mul3A_668, %add3A_669 : i32
      %mul3A_671 = arith.constant 64 : i32
      %mul3A_672 = arith.muli %add3A_670, %mul3A_671 : i32
      %add3A_673 = arith.addi %mul3A_2, %mul3A_672 : i32
      %dma_start3A_674 = arith.constant 4 : i32
      %dma_start3A_675 = arith.constant 0 : i32
      %dma_start3A_676 = arith.constant 0 : i32
      %dma_start3A_677 = tpu.memref_slice %arg6[%dma_start3A_674, %dma_start3A_675, %dma_start3A_676] : memref<10x64x64xf32, #tpu.memory_space<vmem>> -> memref<1x64x64xf32, #tpu.memory_space<vmem>>
      %dma_start3A_678 = tpu.memref_squeeze %dma_start3A_677 : memref<1x64x64xf32, #tpu.memory_space<vmem>> -> memref<64x64xf32, #tpu.memory_space<vmem>>
      %dma_start3A_679 = arith.constant 0 : i32
      %dma_start3A_680 = tpu.memref_slice %arg4[%add3A_673, %dma_start3A_679] : memref<204800x64xf32, #tpu.memory_space<hbm>> -> memref<64x64xf32, #tpu.memory_space<hbm>>
      %dma_start3A_681 = arith.constant 0 : i32
      %dma_start3A_682 = tpu.memref_slice %arg4[%add3A_673, %dma_start3A_681] : memref<204800x64xf32, #tpu.memory_space<hbm>> -> memref<64x64xf32, #tpu.memory_space<hbm>>
      %dma_start3A_683 = arith.constant 0 : i32
      %dma_start3A_684 = arith.constant 0 : i32
      %dma_start3A_685 = tpu.memref_slice %arg6[%dma_start3A_674, %dma_start3A_683, %dma_start3A_684] : memref<10x64x64xf32, #tpu.memory_space<vmem>> -> memref<1x64x64xf32, #tpu.memory_space<vmem>>
      %dma_start3A_686 = tpu.memref_squeeze %dma_start3A_685 : memref<1x64x64xf32, #tpu.memory_space<vmem>> -> memref<64x64xf32, #tpu.memory_space<vmem>>
      tpu.enqueue_dma source(%dma_start3A_686 : memref<64x64xf32, #tpu.memory_space<vmem>>) target(%dma_start3A_682 : memref<64x64xf32, #tpu.memory_space<hbm>>) target_semaphore(%arg21 : memref<!tpu.dma_semaphore, #tpu.memory_space<semaphore_mem>>)
      %dma_wait3A_687 = arith.constant 0 : i32
      %dma_wait3A_688 = arith.constant 5 : i32
      %dma_wait3A_689 = arith.constant 0 : i32
      %dma_wait3A_690 = arith.constant 0 : i32
      %dma_wait3A_691 = tpu.memref_slice %arg6[%dma_wait3A_688, %dma_wait3A_689, %dma_wait3A_690] : memref<10x64x64xf32, #tpu.memory_space<vmem>> -> memref<1x64x64xf32, #tpu.memory_space<vmem>>
      %dma_wait3A_692 = tpu.memref_squeeze %dma_wait3A_691 : memref<1x64x64xf32, #tpu.memory_space<vmem>> -> memref<64x64xf32, #tpu.memory_space<vmem>>
      %dma_wait3A_693 = arith.constant 0 : i32
      %dma_wait3A_694 = tpu.memref_slice %arg5[%dma_wait3A_687, %dma_wait3A_693] : memref<100x64xi32, #tpu.memory_space<vmem>> -> memref<1x64xi32, #tpu.memory_space<vmem>>
      %dma_wait3A_695 = tpu.memref_squeeze %dma_wait3A_694 : memref<1x64xi32, #tpu.memory_space<vmem>> -> memref<64xi32, #tpu.memory_space<vmem>>
      %dma_wait3A_696 = arith.constant 0 : i32
      %dma_wait3A_697 = arith.constant 0 : i32
      %dma_wait3A_698 = tpu.memref_slice %arg2[%dma_wait3A_696, %dma_wait3A_697] : memref<2000000x64xf32, #tpu.memory_space<hbm>> -> memref<2000000x64xf32, #tpu.memory_space<hbm>>
      tpu.wait_indirect_dma semaphore(%arg12 : memref<!tpu.dma_semaphore, #tpu.memory_space<semaphore_mem>>) src(%dma_wait3A_698 : memref<2000000x64xf32, #tpu.memory_space<hbm>>) dst(%dma_wait3A_692 : memref<64x64xf32, #tpu.memory_space<vmem>>)
      %mul3A_699 = arith.constant 10 : i32
      %mul3A_700 = arith.muli %scan3A_526, %mul3A_699 : i32
      %add3A_701 = arith.constant 5 : i32
      %add3A_702 = arith.addi %mul3A_700, %add3A_701 : i32
      %mul3A_703 = arith.constant 64 : i32
      %mul3A_704 = arith.muli %add3A_702, %mul3A_703 : i32
      %add3A_705 = arith.addi %mul3A_2, %mul3A_704 : i32
      %dma_start3A_706 = arith.constant 5 : i32
      %dma_start3A_707 = arith.constant 0 : i32
      %dma_start3A_708 = arith.constant 0 : i32
      %dma_start3A_709 = tpu.memref_slice %arg6[%dma_start3A_706, %dma_start3A_707, %dma_start3A_708] : memref<10x64x64xf32, #tpu.memory_space<vmem>> -> memref<1x64x64xf32, #tpu.memory_space<vmem>>
      %dma_start3A_710 = tpu.memref_squeeze %dma_start3A_709 : memref<1x64x64xf32, #tpu.memory_space<vmem>> -> memref<64x64xf32, #tpu.memory_space<vmem>>
      %dma_start3A_711 = arith.constant 0 : i32
      %dma_start3A_712 = tpu.memref_slice %arg4[%add3A_705, %dma_start3A_711] : memref<204800x64xf32, #tpu.memory_space<hbm>> -> memref<64x64xf32, #tpu.memory_space<hbm>>
      %dma_start3A_713 = arith.constant 0 : i32
      %dma_start3A_714 = tpu.memref_slice %arg4[%add3A_705, %dma_start3A_713] : memref<204800x64xf32, #tpu.memory_space<hbm>> -> memref<64x64xf32, #tpu.memory_space<hbm>>
      %dma_start3A_715 = arith.constant 0 : i32
      %dma_start3A_716 = arith.constant 0 : i32
      %dma_start3A_717 = tpu.memref_slice %arg6[%dma_start3A_706, %dma_start3A_715, %dma_start3A_716] : memref<10x64x64xf32, #tpu.memory_space<vmem>> -> memref<1x64x64xf32, #tpu.memory_space<vmem>>
      %dma_start3A_718 = tpu.memref_squeeze %dma_start3A_717 : memref<1x64x64xf32, #tpu.memory_space<vmem>> -> memref<64x64xf32, #tpu.memory_space<vmem>>
      tpu.enqueue_dma source(%dma_start3A_718 : memref<64x64xf32, #tpu.memory_space<vmem>>) target(%dma_start3A_714 : memref<64x64xf32, #tpu.memory_space<hbm>>) target_semaphore(%arg22 : memref<!tpu.dma_semaphore, #tpu.memory_space<semaphore_mem>>)
      %dma_wait3A_719 = arith.constant 0 : i32
      %dma_wait3A_720 = arith.constant 6 : i32
      %dma_wait3A_721 = arith.constant 0 : i32
      %dma_wait3A_722 = arith.constant 0 : i32
      %dma_wait3A_723 = tpu.memref_slice %arg6[%dma_wait3A_720, %dma_wait3A_721, %dma_wait3A_722] : memref<10x64x64xf32, #tpu.memory_space<vmem>> -> memref<1x64x64xf32, #tpu.memory_space<vmem>>
      %dma_wait3A_724 = tpu.memref_squeeze %dma_wait3A_723 : memref<1x64x64xf32, #tpu.memory_space<vmem>> -> memref<64x64xf32, #tpu.memory_space<vmem>>
      %dma_wait3A_725 = arith.constant 0 : i32
      %dma_wait3A_726 = tpu.memref_slice %arg5[%dma_wait3A_719, %dma_wait3A_725] : memref<100x64xi32, #tpu.memory_space<vmem>> -> memref<1x64xi32, #tpu.memory_space<vmem>>
      %dma_wait3A_727 = tpu.memref_squeeze %dma_wait3A_726 : memref<1x64xi32, #tpu.memory_space<vmem>> -> memref<64xi32, #tpu.memory_space<vmem>>
      %dma_wait3A_728 = arith.constant 0 : i32
      %dma_wait3A_729 = arith.constant 0 : i32
      %dma_wait3A_730 = tpu.memref_slice %arg2[%dma_wait3A_728, %dma_wait3A_729] : memref<2000000x64xf32, #tpu.memory_space<hbm>> -> memref<2000000x64xf32, #tpu.memory_space<hbm>>
      tpu.wait_indirect_dma semaphore(%arg13 : memref<!tpu.dma_semaphore, #tpu.memory_space<semaphore_mem>>) src(%dma_wait3A_730 : memref<2000000x64xf32, #tpu.memory_space<hbm>>) dst(%dma_wait3A_724 : memref<64x64xf32, #tpu.memory_space<vmem>>)
      %mul3A_731 = arith.constant 10 : i32
      %mul3A_732 = arith.muli %scan3A_526, %mul3A_731 : i32
      %add3A_733 = arith.constant 6 : i32
      %add3A_734 = arith.addi %mul3A_732, %add3A_733 : i32
      %mul3A_735 = arith.constant 64 : i32
      %mul3A_736 = arith.muli %add3A_734, %mul3A_735 : i32
      %add3A_737 = arith.addi %mul3A_2, %mul3A_736 : i32
      %dma_start3A_738 = arith.constant 6 : i32
      %dma_start3A_739 = arith.constant 0 : i32
      %dma_start3A_740 = arith.constant 0 : i32
      %dma_start3A_741 = tpu.memref_slice %arg6[%dma_start3A_738, %dma_start3A_739, %dma_start3A_740] : memref<10x64x64xf32, #tpu.memory_space<vmem>> -> memref<1x64x64xf32, #tpu.memory_space<vmem>>
      %dma_start3A_742 = tpu.memref_squeeze %dma_start3A_741 : memref<1x64x64xf32, #tpu.memory_space<vmem>> -> memref<64x64xf32, #tpu.memory_space<vmem>>
      %dma_start3A_743 = arith.constant 0 : i32
      %dma_start3A_744 = tpu.memref_slice %arg4[%add3A_737, %dma_start3A_743] : memref<204800x64xf32, #tpu.memory_space<hbm>> -> memref<64x64xf32, #tpu.memory_space<hbm>>
      %dma_start3A_745 = arith.constant 0 : i32
      %dma_start3A_746 = tpu.memref_slice %arg4[%add3A_737, %dma_start3A_745] : memref<204800x64xf32, #tpu.memory_space<hbm>> -> memref<64x64xf32, #tpu.memory_space<hbm>>
      %dma_start3A_747 = arith.constant 0 : i32
      %dma_start3A_748 = arith.constant 0 : i32
      %dma_start3A_749 = tpu.memref_slice %arg6[%dma_start3A_738, %dma_start3A_747, %dma_start3A_748] : memref<10x64x64xf32, #tpu.memory_space<vmem>> -> memref<1x64x64xf32, #tpu.memory_space<vmem>>
      %dma_start3A_750 = tpu.memref_squeeze %dma_start3A_749 : memref<1x64x64xf32, #tpu.memory_space<vmem>> -> memref<64x64xf32, #tpu.memory_space<vmem>>
      tpu.enqueue_dma source(%dma_start3A_750 : memref<64x64xf32, #tpu.memory_space<vmem>>) target(%dma_start3A_746 : memref<64x64xf32, #tpu.memory_space<hbm>>) target_semaphore(%arg23 : memref<!tpu.dma_semaphore, #tpu.memory_space<semaphore_mem>>)
      %dma_wait3A_751 = arith.constant 0 : i32
      %dma_wait3A_752 = arith.constant 7 : i32
      %dma_wait3A_753 = arith.constant 0 : i32
      %dma_wait3A_754 = arith.constant 0 : i32
      %dma_wait3A_755 = tpu.memref_slice %arg6[%dma_wait3A_752, %dma_wait3A_753, %dma_wait3A_754] : memref<10x64x64xf32, #tpu.memory_space<vmem>> -> memref<1x64x64xf32, #tpu.memory_space<vmem>>
      %dma_wait3A_756 = tpu.memref_squeeze %dma_wait3A_755 : memref<1x64x64xf32, #tpu.memory_space<vmem>> -> memref<64x64xf32, #tpu.memory_space<vmem>>
      %dma_wait3A_757 = arith.constant 0 : i32
      %dma_wait3A_758 = tpu.memref_slice %arg5[%dma_wait3A_751, %dma_wait3A_757] : memref<100x64xi32, #tpu.memory_space<vmem>> -> memref<1x64xi32, #tpu.memory_space<vmem>>
      %dma_wait3A_759 = tpu.memref_squeeze %dma_wait3A_758 : memref<1x64xi32, #tpu.memory_space<vmem>> -> memref<64xi32, #tpu.memory_space<vmem>>
      %dma_wait3A_760 = arith.constant 0 : i32
      %dma_wait3A_761 = arith.constant 0 : i32
      %dma_wait3A_762 = tpu.memref_slice %arg2[%dma_wait3A_760, %dma_wait3A_761] : memref<2000000x64xf32, #tpu.memory_space<hbm>> -> memref<2000000x64xf32, #tpu.memory_space<hbm>>
      tpu.wait_indirect_dma semaphore(%arg14 : memref<!tpu.dma_semaphore, #tpu.memory_space<semaphore_mem>>) src(%dma_wait3A_762 : memref<2000000x64xf32, #tpu.memory_space<hbm>>) dst(%dma_wait3A_756 : memref<64x64xf32, #tpu.memory_space<vmem>>)
      %mul3A_763 = arith.constant 10 : i32
      %mul3A_764 = arith.muli %scan3A_526, %mul3A_763 : i32
      %add3A_765 = arith.constant 7 : i32
      %add3A_766 = arith.addi %mul3A_764, %add3A_765 : i32
      %mul3A_767 = arith.constant 64 : i32
      %mul3A_768 = arith.muli %add3A_766, %mul3A_767 : i32
      %add3A_769 = arith.addi %mul3A_2, %mul3A_768 : i32
      %dma_start3A_770 = arith.constant 7 : i32
      %dma_start3A_771 = arith.constant 0 : i32
      %dma_start3A_772 = arith.constant 0 : i32
      %dma_start3A_773 = tpu.memref_slice %arg6[%dma_start3A_770, %dma_start3A_771, %dma_start3A_772] : memref<10x64x64xf32, #tpu.memory_space<vmem>> -> memref<1x64x64xf32, #tpu.memory_space<vmem>>
      %dma_start3A_774 = tpu.memref_squeeze %dma_start3A_773 : memref<1x64x64xf32, #tpu.memory_space<vmem>> -> memref<64x64xf32, #tpu.memory_space<vmem>>
      %dma_start3A_775 = arith.constant 0 : i32
      %dma_start3A_776 = tpu.memref_slice %arg4[%add3A_769, %dma_start3A_775] : memref<204800x64xf32, #tpu.memory_space<hbm>> -> memref<64x64xf32, #tpu.memory_space<hbm>>
      %dma_start3A_777 = arith.constant 0 : i32
      %dma_start3A_778 = tpu.memref_slice %arg4[%add3A_769, %dma_start3A_777] : memref<204800x64xf32, #tpu.memory_space<hbm>> -> memref<64x64xf32, #tpu.memory_space<hbm>>
      %dma_start3A_779 = arith.constant 0 : i32
      %dma_start3A_780 = arith.constant 0 : i32
      %dma_start3A_781 = tpu.memref_slice %arg6[%dma_start3A_770, %dma_start3A_779, %dma_start3A_780] : memref<10x64x64xf32, #tpu.memory_space<vmem>> -> memref<1x64x64xf32, #tpu.memory_space<vmem>>
      %dma_start3A_782 = tpu.memref_squeeze %dma_start3A_781 : memref<1x64x64xf32, #tpu.memory_space<vmem>> -> memref<64x64xf32, #tpu.memory_space<vmem>>
      tpu.enqueue_dma source(%dma_start3A_782 : memref<64x64xf32, #tpu.memory_space<vmem>>) target(%dma_start3A_778 : memref<64x64xf32, #tpu.memory_space<hbm>>) target_semaphore(%arg24 : memref<!tpu.dma_semaphore, #tpu.memory_space<semaphore_mem>>)
      %dma_wait3A_783 = arith.constant 0 : i32
      %dma_wait3A_784 = arith.constant 8 : i32
      %dma_wait3A_785 = arith.constant 0 : i32
      %dma_wait3A_786 = arith.constant 0 : i32
      %dma_wait3A_787 = tpu.memref_slice %arg6[%dma_wait3A_784, %dma_wait3A_785, %dma_wait3A_786] : memref<10x64x64xf32, #tpu.memory_space<vmem>> -> memref<1x64x64xf32, #tpu.memory_space<vmem>>
      %dma_wait3A_788 = tpu.memref_squeeze %dma_wait3A_787 : memref<1x64x64xf32, #tpu.memory_space<vmem>> -> memref<64x64xf32, #tpu.memory_space<vmem>>
      %dma_wait3A_789 = arith.constant 0 : i32
      %dma_wait3A_790 = tpu.memref_slice %arg5[%dma_wait3A_783, %dma_wait3A_789] : memref<100x64xi32, #tpu.memory_space<vmem>> -> memref<1x64xi32, #tpu.memory_space<vmem>>
      %dma_wait3A_791 = tpu.memref_squeeze %dma_wait3A_790 : memref<1x64xi32, #tpu.memory_space<vmem>> -> memref<64xi32, #tpu.memory_space<vmem>>
      %dma_wait3A_792 = arith.constant 0 : i32
      %dma_wait3A_793 = arith.constant 0 : i32
      %dma_wait3A_794 = tpu.memref_slice %arg2[%dma_wait3A_792, %dma_wait3A_793] : memref<2000000x64xf32, #tpu.memory_space<hbm>> -> memref<2000000x64xf32, #tpu.memory_space<hbm>>
      tpu.wait_indirect_dma semaphore(%arg15 : memref<!tpu.dma_semaphore, #tpu.memory_space<semaphore_mem>>) src(%dma_wait3A_794 : memref<2000000x64xf32, #tpu.memory_space<hbm>>) dst(%dma_wait3A_788 : memref<64x64xf32, #tpu.memory_space<vmem>>)
      %mul3A_795 = arith.constant 10 : i32
      %mul3A_796 = arith.muli %scan3A_526, %mul3A_795 : i32
      %add3A_797 = arith.constant 8 : i32
      %add3A_798 = arith.addi %mul3A_796, %add3A_797 : i32
      %mul3A_799 = arith.constant 64 : i32
      %mul3A_800 = arith.muli %add3A_798, %mul3A_799 : i32
      %add3A_801 = arith.addi %mul3A_2, %mul3A_800 : i32
      %dma_start3A_802 = arith.constant 8 : i32
      %dma_start3A_803 = arith.constant 0 : i32
      %dma_start3A_804 = arith.constant 0 : i32
      %dma_start3A_805 = tpu.memref_slice %arg6[%dma_start3A_802, %dma_start3A_803, %dma_start3A_804] : memref<10x64x64xf32, #tpu.memory_space<vmem>> -> memref<1x64x64xf32, #tpu.memory_space<vmem>>
      %dma_start3A_806 = tpu.memref_squeeze %dma_start3A_805 : memref<1x64x64xf32, #tpu.memory_space<vmem>> -> memref<64x64xf32, #tpu.memory_space<vmem>>
      %dma_start3A_807 = arith.constant 0 : i32
      %dma_start3A_808 = tpu.memref_slice %arg4[%add3A_801, %dma_start3A_807] : memref<204800x64xf32, #tpu.memory_space<hbm>> -> memref<64x64xf32, #tpu.memory_space<hbm>>
      %dma_start3A_809 = arith.constant 0 : i32
      %dma_start3A_810 = tpu.memref_slice %arg4[%add3A_801, %dma_start3A_809] : memref<204800x64xf32, #tpu.memory_space<hbm>> -> memref<64x64xf32, #tpu.memory_space<hbm>>
      %dma_start3A_811 = arith.constant 0 : i32
      %dma_start3A_812 = arith.constant 0 : i32
      %dma_start3A_813 = tpu.memref_slice %arg6[%dma_start3A_802, %dma_start3A_811, %dma_start3A_812] : memref<10x64x64xf32, #tpu.memory_space<vmem>> -> memref<1x64x64xf32, #tpu.memory_space<vmem>>
      %dma_start3A_814 = tpu.memref_squeeze %dma_start3A_813 : memref<1x64x64xf32, #tpu.memory_space<vmem>> -> memref<64x64xf32, #tpu.memory_space<vmem>>
      tpu.enqueue_dma source(%dma_start3A_814 : memref<64x64xf32, #tpu.memory_space<vmem>>) target(%dma_start3A_810 : memref<64x64xf32, #tpu.memory_space<hbm>>) target_semaphore(%arg25 : memref<!tpu.dma_semaphore, #tpu.memory_space<semaphore_mem>>)
      %dma_wait3A_815 = arith.constant 0 : i32
      %dma_wait3A_816 = arith.constant 9 : i32
      %dma_wait3A_817 = arith.constant 0 : i32
      %dma_wait3A_818 = arith.constant 0 : i32
      %dma_wait3A_819 = tpu.memref_slice %arg6[%dma_wait3A_816, %dma_wait3A_817, %dma_wait3A_818] : memref<10x64x64xf32, #tpu.memory_space<vmem>> -> memref<1x64x64xf32, #tpu.memory_space<vmem>>
      %dma_wait3A_820 = tpu.memref_squeeze %dma_wait3A_819 : memref<1x64x64xf32, #tpu.memory_space<vmem>> -> memref<64x64xf32, #tpu.memory_space<vmem>>
      %dma_wait3A_821 = arith.constant 0 : i32
      %dma_wait3A_822 = tpu.memref_slice %arg5[%dma_wait3A_815, %dma_wait3A_821] : memref<100x64xi32, #tpu.memory_space<vmem>> -> memref<1x64xi32, #tpu.memory_space<vmem>>
      %dma_wait3A_823 = tpu.memref_squeeze %dma_wait3A_822 : memref<1x64xi32, #tpu.memory_space<vmem>> -> memref<64xi32, #tpu.memory_space<vmem>>
      %dma_wait3A_824 = arith.constant 0 : i32
      %dma_wait3A_825 = arith.constant 0 : i32
      %dma_wait3A_826 = tpu.memref_slice %arg2[%dma_wait3A_824, %dma_wait3A_825] : memref<2000000x64xf32, #tpu.memory_space<hbm>> -> memref<2000000x64xf32, #tpu.memory_space<hbm>>
      tpu.wait_indirect_dma semaphore(%arg16 : memref<!tpu.dma_semaphore, #tpu.memory_space<semaphore_mem>>) src(%dma_wait3A_826 : memref<2000000x64xf32, #tpu.memory_space<hbm>>) dst(%dma_wait3A_820 : memref<64x64xf32, #tpu.memory_space<vmem>>)
      %mul3A_827 = arith.constant 10 : i32
      %mul3A_828 = arith.muli %scan3A_526, %mul3A_827 : i32
      %add3A_829 = arith.constant 9 : i32
      %add3A_830 = arith.addi %mul3A_828, %add3A_829 : i32
      %mul3A_831 = arith.constant 64 : i32
      %mul3A_832 = arith.muli %add3A_830, %mul3A_831 : i32
      %add3A_833 = arith.addi %mul3A_2, %mul3A_832 : i32
      %dma_start3A_834 = arith.constant 9 : i32
      %dma_start3A_835 = arith.constant 0 : i32
      %dma_start3A_836 = arith.constant 0 : i32
      %dma_start3A_837 = tpu.memref_slice %arg6[%dma_start3A_834, %dma_start3A_835, %dma_start3A_836] : memref<10x64x64xf32, #tpu.memory_space<vmem>> -> memref<1x64x64xf32, #tpu.memory_space<vmem>>
      %dma_start3A_838 = tpu.memref_squeeze %dma_start3A_837 : memref<1x64x64xf32, #tpu.memory_space<vmem>> -> memref<64x64xf32, #tpu.memory_space<vmem>>
      %dma_start3A_839 = arith.constant 0 : i32
      %dma_start3A_840 = tpu.memref_slice %arg4[%add3A_833, %dma_start3A_839] : memref<204800x64xf32, #tpu.memory_space<hbm>> -> memref<64x64xf32, #tpu.memory_space<hbm>>
      %dma_start3A_841 = arith.constant 0 : i32
      %dma_start3A_842 = tpu.memref_slice %arg4[%add3A_833, %dma_start3A_841] : memref<204800x64xf32, #tpu.memory_space<hbm>> -> memref<64x64xf32, #tpu.memory_space<hbm>>
      %dma_start3A_843 = arith.constant 0 : i32
      %dma_start3A_844 = arith.constant 0 : i32
      %dma_start3A_845 = tpu.memref_slice %arg6[%dma_start3A_834, %dma_start3A_843, %dma_start3A_844] : memref<10x64x64xf32, #tpu.memory_space<vmem>> -> memref<1x64x64xf32, #tpu.memory_space<vmem>>
      %dma_start3A_846 = tpu.memref_squeeze %dma_start3A_845 : memref<1x64x64xf32, #tpu.memory_space<vmem>> -> memref<64x64xf32, #tpu.memory_space<vmem>>
      tpu.enqueue_dma source(%dma_start3A_846 : memref<64x64xf32, #tpu.memory_space<vmem>>) target(%dma_start3A_842 : memref<64x64xf32, #tpu.memory_space<hbm>>) target_semaphore(%arg26 : memref<!tpu.dma_semaphore, #tpu.memory_space<semaphore_mem>>)
      %dma_wait3A_847 = arith.constant 0 : i32
      %dma_wait3A_848 = arith.constant 0 : i32
      %dma_wait3A_849 = arith.constant 0 : i32
      %dma_wait3A_850 = tpu.memref_slice %arg6[%dma_wait3A_847, %dma_wait3A_848, %dma_wait3A_849] : memref<10x64x64xf32, #tpu.memory_space<vmem>> -> memref<1x64x64xf32, #tpu.memory_space<vmem>>
      %dma_wait3A_851 = tpu.memref_squeeze %dma_wait3A_850 : memref<1x64x64xf32, #tpu.memory_space<vmem>> -> memref<64x64xf32, #tpu.memory_space<vmem>>
      %dma_wait3A_852 = arith.constant 0 : i32
      %dma_wait3A_853 = tpu.memref_slice %arg4[%mul3A_2, %dma_wait3A_852] : memref<204800x64xf32, #tpu.memory_space<hbm>> -> memref<64x64xf32, #tpu.memory_space<hbm>>
      %dma_wait3A_854 = arith.constant 0 : i32
      %dma_wait3A_855 = tpu.memref_slice %arg4[%mul3A_2, %dma_wait3A_854] : memref<204800x64xf32, #tpu.memory_space<hbm>> -> memref<64x64xf32, #tpu.memory_space<hbm>>
      %dma_wait3A_856 = arith.constant 0 : i32
      %dma_wait3A_857 = arith.constant 0 : i32
      %dma_wait3A_858 = tpu.memref_slice %arg6[%dma_wait3A_847, %dma_wait3A_856, %dma_wait3A_857] : memref<10x64x64xf32, #tpu.memory_space<vmem>> -> memref<1x64x64xf32, #tpu.memory_space<vmem>>
      %dma_wait3A_859 = tpu.memref_squeeze %dma_wait3A_858 : memref<1x64x64xf32, #tpu.memory_space<vmem>> -> memref<64x64xf32, #tpu.memory_space<vmem>>
      tpu.wait_dma2 semaphore(%arg17 : memref<!tpu.dma_semaphore, #tpu.memory_space<semaphore_mem>>) src(%dma_wait3A_859 : memref<64x64xf32, #tpu.memory_space<vmem>>) dst(%dma_wait3A_855 : memref<64x64xf32, #tpu.memory_space<hbm>>)
      %add3A_860 = arith.constant 1 : i32
      %add3A_861 = arith.addi %scan3A_526, %add3A_860 : i32
      %mul3A_862 = arith.constant 10 : i32
      %mul3A_863 = arith.muli %add3A_861, %mul3A_862 : i32
      %add3A_864 = arith.constant 0 : i32
      %add3A_865 = arith.addi %mul3A_863, %add3A_864 : i32
      %dma_start3A_866 = arith.constant 0 : i32
      %dma_start3A_867 = arith.constant 0 : i32
      %dma_start3A_868 = arith.constant 0 : i32
      %dma_start3A_869 = tpu.memref_slice %arg6[%dma_start3A_866, %dma_start3A_867, %dma_start3A_868] : memref<10x64x64xf32, #tpu.memory_space<vmem>> -> memref<1x64x64xf32, #tpu.memory_space<vmem>>
      %dma_start3A_870 = tpu.memref_squeeze %dma_start3A_869 : memref<1x64x64xf32, #tpu.memory_space<vmem>> -> memref<64x64xf32, #tpu.memory_space<vmem>>
      %dma_start3A_871 = arith.constant 0 : i32
      %dma_start3A_872 = tpu.memref_slice %arg5[%add3A_865, %dma_start3A_871] : memref<100x64xi32, #tpu.memory_space<vmem>> -> memref<1x64xi32, #tpu.memory_space<vmem>>
      %dma_start3A_873 = tpu.memref_squeeze %dma_start3A_872 : memref<1x64xi32, #tpu.memory_space<vmem>> -> memref<64xi32, #tpu.memory_space<vmem>>
      %dma_start3A_874 = arith.constant 0 : i32
      %dma_start3A_875 = arith.constant 0 : i32
      %dma_start3A_876 = tpu.memref_slice %arg2[%dma_start3A_874, %dma_start3A_875] : memref<2000000x64xf32, #tpu.memory_space<hbm>> -> memref<2000000x64xf32, #tpu.memory_space<hbm>>
      tpu.enqueue_indirect_dma source(%dma_start3A_876 : memref<2000000x64xf32, #tpu.memory_space<hbm>>) target(%dma_start3A_870 : memref<64x64xf32, #tpu.memory_space<vmem>>) offsets(%dma_start3A_873 : memref<64xi32, #tpu.memory_space<vmem>>) semaphore(%arg7 : memref<!tpu.dma_semaphore, #tpu.memory_space<semaphore_mem>>)
      %dma_wait3A_877 = arith.constant 1 : i32
      %dma_wait3A_878 = arith.constant 0 : i32
      %dma_wait3A_879 = arith.constant 0 : i32
      %dma_wait3A_880 = tpu.memref_slice %arg6[%dma_wait3A_877, %dma_wait3A_878, %dma_wait3A_879] : memref<10x64x64xf32, #tpu.memory_space<vmem>> -> memref<1x64x64xf32, #tpu.memory_space<vmem>>
      %dma_wait3A_881 = tpu.memref_squeeze %dma_wait3A_880 : memref<1x64x64xf32, #tpu.memory_space<vmem>> -> memref<64x64xf32, #tpu.memory_space<vmem>>
      %dma_wait3A_882 = arith.constant 0 : i32
      %dma_wait3A_883 = tpu.memref_slice %arg4[%mul3A_2, %dma_wait3A_882] : memref<204800x64xf32, #tpu.memory_space<hbm>> -> memref<64x64xf32, #tpu.memory_space<hbm>>
      %dma_wait3A_884 = arith.constant 0 : i32
      %dma_wait3A_885 = tpu.memref_slice %arg4[%mul3A_2, %dma_wait3A_884] : memref<204800x64xf32, #tpu.memory_space<hbm>> -> memref<64x64xf32, #tpu.memory_space<hbm>>
      %dma_wait3A_886 = arith.constant 0 : i32
      %dma_wait3A_887 = arith.constant 0 : i32
      %dma_wait3A_888 = tpu.memref_slice %arg6[%dma_wait3A_877, %dma_wait3A_886, %dma_wait3A_887] : memref<10x64x64xf32, #tpu.memory_space<vmem>> -> memref<1x64x64xf32, #tpu.memory_space<vmem>>
      %dma_wait3A_889 = tpu.memref_squeeze %dma_wait3A_888 : memref<1x64x64xf32, #tpu.memory_space<vmem>> -> memref<64x64xf32, #tpu.memory_space<vmem>>
      tpu.wait_dma2 semaphore(%arg18 : memref<!tpu.dma_semaphore, #tpu.memory_space<semaphore_mem>>) src(%dma_wait3A_889 : memref<64x64xf32, #tpu.memory_space<vmem>>) dst(%dma_wait3A_885 : memref<64x64xf32, #tpu.memory_space<hbm>>)
      %add3A_890 = arith.constant 1 : i32
      %add3A_891 = arith.addi %scan3A_526, %add3A_890 : i32
      %mul3A_892 = arith.constant 10 : i32
      %mul3A_893 = arith.muli %add3A_891, %mul3A_892 : i32
      %add3A_894 = arith.constant 1 : i32
      %add3A_895 = arith.addi %mul3A_893, %add3A_894 : i32
      %dma_start3A_896 = arith.constant 1 : i32
      %dma_start3A_897 = arith.constant 0 : i32
      %dma_start3A_898 = arith.constant 0 : i32
      %dma_start3A_899 = tpu.memref_slice %arg6[%dma_start3A_896, %dma_start3A_897, %dma_start3A_898] : memref<10x64x64xf32, #tpu.memory_space<vmem>> -> memref<1x64x64xf32, #tpu.memory_space<vmem>>
      %dma_start3A_900 = tpu.memref_squeeze %dma_start3A_899 : memref<1x64x64xf32, #tpu.memory_space<vmem>> -> memref<64x64xf32, #tpu.memory_space<vmem>>
      %dma_start3A_901 = arith.constant 0 : i32
      %dma_start3A_902 = tpu.memref_slice %arg5[%add3A_895, %dma_start3A_901] : memref<100x64xi32, #tpu.memory_space<vmem>> -> memref<1x64xi32, #tpu.memory_space<vmem>>
      %dma_start3A_903 = tpu.memref_squeeze %dma_start3A_902 : memref<1x64xi32, #tpu.memory_space<vmem>> -> memref<64xi32, #tpu.memory_space<vmem>>
      %dma_start3A_904 = arith.constant 0 : i32
      %dma_start3A_905 = arith.constant 0 : i32
      %dma_start3A_906 = tpu.memref_slice %arg2[%dma_start3A_904, %dma_start3A_905] : memref<2000000x64xf32, #tpu.memory_space<hbm>> -> memref<2000000x64xf32, #tpu.memory_space<hbm>>
      tpu.enqueue_indirect_dma source(%dma_start3A_906 : memref<2000000x64xf32, #tpu.memory_space<hbm>>) target(%dma_start3A_900 : memref<64x64xf32, #tpu.memory_space<vmem>>) offsets(%dma_start3A_903 : memref<64xi32, #tpu.memory_space<vmem>>) semaphore(%arg8 : memref<!tpu.dma_semaphore, #tpu.memory_space<semaphore_mem>>)
      %dma_wait3A_907 = arith.constant 2 : i32
      %dma_wait3A_908 = arith.constant 0 : i32
      %dma_wait3A_909 = arith.constant 0 : i32
      %dma_wait3A_910 = tpu.memref_slice %arg6[%dma_wait3A_907, %dma_wait3A_908, %dma_wait3A_909] : memref<10x64x64xf32, #tpu.memory_space<vmem>> -> memref<1x64x64xf32, #tpu.memory_space<vmem>>
      %dma_wait3A_911 = tpu.memref_squeeze %dma_wait3A_910 : memref<1x64x64xf32, #tpu.memory_space<vmem>> -> memref<64x64xf32, #tpu.memory_space<vmem>>
      %dma_wait3A_912 = arith.constant 0 : i32
      %dma_wait3A_913 = tpu.memref_slice %arg4[%mul3A_2, %dma_wait3A_912] : memref<204800x64xf32, #tpu.memory_space<hbm>> -> memref<64x64xf32, #tpu.memory_space<hbm>>
      %dma_wait3A_914 = arith.constant 0 : i32
      %dma_wait3A_915 = tpu.memref_slice %arg4[%mul3A_2, %dma_wait3A_914] : memref<204800x64xf32, #tpu.memory_space<hbm>> -> memref<64x64xf32, #tpu.memory_space<hbm>>
      %dma_wait3A_916 = arith.constant 0 : i32
      %dma_wait3A_917 = arith.constant 0 : i32
      %dma_wait3A_918 = tpu.memref_slice %arg6[%dma_wait3A_907, %dma_wait3A_916, %dma_wait3A_917] : memref<10x64x64xf32, #tpu.memory_space<vmem>> -> memref<1x64x64xf32, #tpu.memory_space<vmem>>
      %dma_wait3A_919 = tpu.memref_squeeze %dma_wait3A_918 : memref<1x64x64xf32, #tpu.memory_space<vmem>> -> memref<64x64xf32, #tpu.memory_space<vmem>>
      tpu.wait_dma2 semaphore(%arg19 : memref<!tpu.dma_semaphore, #tpu.memory_space<semaphore_mem>>) src(%dma_wait3A_919 : memref<64x64xf32, #tpu.memory_space<vmem>>) dst(%dma_wait3A_915 : memref<64x64xf32, #tpu.memory_space<hbm>>)
      %add3A_920 = arith.constant 1 : i32
      %add3A_921 = arith.addi %scan3A_526, %add3A_920 : i32
      %mul3A_922 = arith.constant 10 : i32
      %mul3A_923 = arith.muli %add3A_921, %mul3A_922 : i32
      %add3A_924 = arith.constant 2 : i32
      %add3A_925 = arith.addi %mul3A_923, %add3A_924 : i32
      %dma_start3A_926 = arith.constant 2 : i32
      %dma_start3A_927 = arith.constant 0 : i32
      %dma_start3A_928 = arith.constant 0 : i32
      %dma_start3A_929 = tpu.memref_slice %arg6[%dma_start3A_926, %dma_start3A_927, %dma_start3A_928] : memref<10x64x64xf32, #tpu.memory_space<vmem>> -> memref<1x64x64xf32, #tpu.memory_space<vmem>>
      %dma_start3A_930 = tpu.memref_squeeze %dma_start3A_929 : memref<1x64x64xf32, #tpu.memory_space<vmem>> -> memref<64x64xf32, #tpu.memory_space<vmem>>
      %dma_start3A_931 = arith.constant 0 : i32
      %dma_start3A_932 = tpu.memref_slice %arg5[%add3A_925, %dma_start3A_931] : memref<100x64xi32, #tpu.memory_space<vmem>> -> memref<1x64xi32, #tpu.memory_space<vmem>>
      %dma_start3A_933 = tpu.memref_squeeze %dma_start3A_932 : memref<1x64xi32, #tpu.memory_space<vmem>> -> memref<64xi32, #tpu.memory_space<vmem>>
      %dma_start3A_934 = arith.constant 0 : i32
      %dma_start3A_935 = arith.constant 0 : i32
      %dma_start3A_936 = tpu.memref_slice %arg2[%dma_start3A_934, %dma_start3A_935] : memref<2000000x64xf32, #tpu.memory_space<hbm>> -> memref<2000000x64xf32, #tpu.memory_space<hbm>>
      tpu.enqueue_indirect_dma source(%dma_start3A_936 : memref<2000000x64xf32, #tpu.memory_space<hbm>>) target(%dma_start3A_930 : memref<64x64xf32, #tpu.memory_space<vmem>>) offsets(%dma_start3A_933 : memref<64xi32, #tpu.memory_space<vmem>>) semaphore(%arg9 : memref<!tpu.dma_semaphore, #tpu.memory_space<semaphore_mem>>)
      %dma_wait3A_937 = arith.constant 3 : i32
      %dma_wait3A_938 = arith.constant 0 : i32
      %dma_wait3A_939 = arith.constant 0 : i32
      %dma_wait3A_940 = tpu.memref_slice %arg6[%dma_wait3A_937, %dma_wait3A_938, %dma_wait3A_939] : memref<10x64x64xf32, #tpu.memory_space<vmem>> -> memref<1x64x64xf32, #tpu.memory_space<vmem>>
      %dma_wait3A_941 = tpu.memref_squeeze %dma_wait3A_940 : memref<1x64x64xf32, #tpu.memory_space<vmem>> -> memref<64x64xf32, #tpu.memory_space<vmem>>
      %dma_wait3A_942 = arith.constant 0 : i32
      %dma_wait3A_943 = tpu.memref_slice %arg4[%mul3A_2, %dma_wait3A_942] : memref<204800x64xf32, #tpu.memory_space<hbm>> -> memref<64x64xf32, #tpu.memory_space<hbm>>
      %dma_wait3A_944 = arith.constant 0 : i32
      %dma_wait3A_945 = tpu.memref_slice %arg4[%mul3A_2, %dma_wait3A_944] : memref<204800x64xf32, #tpu.memory_space<hbm>> -> memref<64x64xf32, #tpu.memory_space<hbm>>
      %dma_wait3A_946 = arith.constant 0 : i32
      %dma_wait3A_947 = arith.constant 0 : i32
      %dma_wait3A_948 = tpu.memref_slice %arg6[%dma_wait3A_937, %dma_wait3A_946, %dma_wait3A_947] : memref<10x64x64xf32, #tpu.memory_space<vmem>> -> memref<1x64x64xf32, #tpu.memory_space<vmem>>
      %dma_wait3A_949 = tpu.memref_squeeze %dma_wait3A_948 : memref<1x64x64xf32, #tpu.memory_space<vmem>> -> memref<64x64xf32, #tpu.memory_space<vmem>>
      tpu.wait_dma2 semaphore(%arg20 : memref<!tpu.dma_semaphore, #tpu.memory_space<semaphore_mem>>) src(%dma_wait3A_949 : memref<64x64xf32, #tpu.memory_space<vmem>>) dst(%dma_wait3A_945 : memref<64x64xf32, #tpu.memory_space<hbm>>)
      %add3A_950 = arith.constant 1 : i32
      %add3A_951 = arith.addi %scan3A_526, %add3A_950 : i32
      %mul3A_952 = arith.constant 10 : i32
      %mul3A_953 = arith.muli %add3A_951, %mul3A_952 : i32
      %add3A_954 = arith.constant 3 : i32
      %add3A_955 = arith.addi %mul3A_953, %add3A_954 : i32
      %dma_start3A_956 = arith.constant 3 : i32
      %dma_start3A_957 = arith.constant 0 : i32
      %dma_start3A_958 = arith.constant 0 : i32
      %dma_start3A_959 = tpu.memref_slice %arg6[%dma_start3A_956, %dma_start3A_957, %dma_start3A_958] : memref<10x64x64xf32, #tpu.memory_space<vmem>> -> memref<1x64x64xf32, #tpu.memory_space<vmem>>
      %dma_start3A_960 = tpu.memref_squeeze %dma_start3A_959 : memref<1x64x64xf32, #tpu.memory_space<vmem>> -> memref<64x64xf32, #tpu.memory_space<vmem>>
      %dma_start3A_961 = arith.constant 0 : i32
      %dma_start3A_962 = tpu.memref_slice %arg5[%add3A_955, %dma_start3A_961] : memref<100x64xi32, #tpu.memory_space<vmem>> -> memref<1x64xi32, #tpu.memory_space<vmem>>
      %dma_start3A_963 = tpu.memref_squeeze %dma_start3A_962 : memref<1x64xi32, #tpu.memory_space<vmem>> -> memref<64xi32, #tpu.memory_space<vmem>>
      %dma_start3A_964 = arith.constant 0 : i32
      %dma_start3A_965 = arith.constant 0 : i32
      %dma_start3A_966 = tpu.memref_slice %arg2[%dma_start3A_964, %dma_start3A_965] : memref<2000000x64xf32, #tpu.memory_space<hbm>> -> memref<2000000x64xf32, #tpu.memory_space<hbm>>
      tpu.enqueue_indirect_dma source(%dma_start3A_966 : memref<2000000x64xf32, #tpu.memory_space<hbm>>) target(%dma_start3A_960 : memref<64x64xf32, #tpu.memory_space<vmem>>) offsets(%dma_start3A_963 : memref<64xi32, #tpu.memory_space<vmem>>) semaphore(%arg10 : memref<!tpu.dma_semaphore, #tpu.memory_space<semaphore_mem>>)
      %dma_wait3A_967 = arith.constant 4 : i32
      %dma_wait3A_968 = arith.constant 0 : i32
      %dma_wait3A_969 = arith.constant 0 : i32
      %dma_wait3A_970 = tpu.memref_slice %arg6[%dma_wait3A_967, %dma_wait3A_968, %dma_wait3A_969] : memref<10x64x64xf32, #tpu.memory_space<vmem>> -> memref<1x64x64xf32, #tpu.memory_space<vmem>>
      %dma_wait3A_971 = tpu.memref_squeeze %dma_wait3A_970 : memref<1x64x64xf32, #tpu.memory_space<vmem>> -> memref<64x64xf32, #tpu.memory_space<vmem>>
      %dma_wait3A_972 = arith.constant 0 : i32
      %dma_wait3A_973 = tpu.memref_slice %arg4[%mul3A_2, %dma_wait3A_972] : memref<204800x64xf32, #tpu.memory_space<hbm>> -> memref<64x64xf32, #tpu.memory_space<hbm>>
      %dma_wait3A_974 = arith.constant 0 : i32
      %dma_wait3A_975 = tpu.memref_slice %arg4[%mul3A_2, %dma_wait3A_974] : memref<204800x64xf32, #tpu.memory_space<hbm>> -> memref<64x64xf32, #tpu.memory_space<hbm>>
      %dma_wait3A_976 = arith.constant 0 : i32
      %dma_wait3A_977 = arith.constant 0 : i32
      %dma_wait3A_978 = tpu.memref_slice %arg6[%dma_wait3A_967, %dma_wait3A_976, %dma_wait3A_977] : memref<10x64x64xf32, #tpu.memory_space<vmem>> -> memref<1x64x64xf32, #tpu.memory_space<vmem>>
      %dma_wait3A_979 = tpu.memref_squeeze %dma_wait3A_978 : memref<1x64x64xf32, #tpu.memory_space<vmem>> -> memref<64x64xf32, #tpu.memory_space<vmem>>
      tpu.wait_dma2 semaphore(%arg21 : memref<!tpu.dma_semaphore, #tpu.memory_space<semaphore_mem>>) src(%dma_wait3A_979 : memref<64x64xf32, #tpu.memory_space<vmem>>) dst(%dma_wait3A_975 : memref<64x64xf32, #tpu.memory_space<hbm>>)
      %add3A_980 = arith.constant 1 : i32
      %add3A_981 = arith.addi %scan3A_526, %add3A_980 : i32
      %mul3A_982 = arith.constant 10 : i32
      %mul3A_983 = arith.muli %add3A_981, %mul3A_982 : i32
      %add3A_984 = arith.constant 4 : i32
      %add3A_985 = arith.addi %mul3A_983, %add3A_984 : i32
      %dma_start3A_986 = arith.constant 4 : i32
      %dma_start3A_987 = arith.constant 0 : i32
      %dma_start3A_988 = arith.constant 0 : i32
      %dma_start3A_989 = tpu.memref_slice %arg6[%dma_start3A_986, %dma_start3A_987, %dma_start3A_988] : memref<10x64x64xf32, #tpu.memory_space<vmem>> -> memref<1x64x64xf32, #tpu.memory_space<vmem>>
      %dma_start3A_990 = tpu.memref_squeeze %dma_start3A_989 : memref<1x64x64xf32, #tpu.memory_space<vmem>> -> memref<64x64xf32, #tpu.memory_space<vmem>>
      %dma_start3A_991 = arith.constant 0 : i32
      %dma_start3A_992 = tpu.memref_slice %arg5[%add3A_985, %dma_start3A_991] : memref<100x64xi32, #tpu.memory_space<vmem>> -> memref<1x64xi32, #tpu.memory_space<vmem>>
      %dma_start3A_993 = tpu.memref_squeeze %dma_start3A_992 : memref<1x64xi32, #tpu.memory_space<vmem>> -> memref<64xi32, #tpu.memory_space<vmem>>
      %dma_start3A_994 = arith.constant 0 : i32
      %dma_start3A_995 = arith.constant 0 : i32
      %dma_start3A_996 = tpu.memref_slice %arg2[%dma_start3A_994, %dma_start3A_995] : memref<2000000x64xf32, #tpu.memory_space<hbm>> -> memref<2000000x64xf32, #tpu.memory_space<hbm>>
      tpu.enqueue_indirect_dma source(%dma_start3A_996 : memref<2000000x64xf32, #tpu.memory_space<hbm>>) target(%dma_start3A_990 : memref<64x64xf32, #tpu.memory_space<vmem>>) offsets(%dma_start3A_993 : memref<64xi32, #tpu.memory_space<vmem>>) semaphore(%arg11 : memref<!tpu.dma_semaphore, #tpu.memory_space<semaphore_mem>>)
      %dma_wait3A_997 = arith.constant 5 : i32
      %dma_wait3A_998 = arith.constant 0 : i32
      %dma_wait3A_999 = arith.constant 0 : i32
      %dma_wait3A_1000 = tpu.memref_slice %arg6[%dma_wait3A_997, %dma_wait3A_998, %dma_wait3A_999] : memref<10x64x64xf32, #tpu.memory_space<vmem>> -> memref<1x64x64xf32, #tpu.memory_space<vmem>>
      %dma_wait3A_1001 = tpu.memref_squeeze %dma_wait3A_1000 : memref<1x64x64xf32, #tpu.memory_space<vmem>> -> memref<64x64xf32, #tpu.memory_space<vmem>>
      %dma_wait3A_1002 = arith.constant 0 : i32
      %dma_wait3A_1003 = tpu.memref_slice %arg4[%mul3A_2, %dma_wait3A_1002] : memref<204800x64xf32, #tpu.memory_space<hbm>> -> memref<64x64xf32, #tpu.memory_space<hbm>>
      %dma_wait3A_1004 = arith.constant 0 : i32
      %dma_wait3A_1005 = tpu.memref_slice %arg4[%mul3A_2, %dma_wait3A_1004] : memref<204800x64xf32, #tpu.memory_space<hbm>> -> memref<64x64xf32, #tpu.memory_space<hbm>>
      %dma_wait3A_1006 = arith.constant 0 : i32
      %dma_wait3A_1007 = arith.constant 0 : i32
      %dma_wait3A_1008 = tpu.memref_slice %arg6[%dma_wait3A_997, %dma_wait3A_1006, %dma_wait3A_1007] : memref<10x64x64xf32, #tpu.memory_space<vmem>> -> memref<1x64x64xf32, #tpu.memory_space<vmem>>
      %dma_wait3A_1009 = tpu.memref_squeeze %dma_wait3A_1008 : memref<1x64x64xf32, #tpu.memory_space<vmem>> -> memref<64x64xf32, #tpu.memory_space<vmem>>
      tpu.wait_dma2 semaphore(%arg22 : memref<!tpu.dma_semaphore, #tpu.memory_space<semaphore_mem>>) src(%dma_wait3A_1009 : memref<64x64xf32, #tpu.memory_space<vmem>>) dst(%dma_wait3A_1005 : memref<64x64xf32, #tpu.memory_space<hbm>>)
      %add3A_1010 = arith.constant 1 : i32
      %add3A_1011 = arith.addi %scan3A_526, %add3A_1010 : i32
      %mul3A_1012 = arith.constant 10 : i32
      %mul3A_1013 = arith.muli %add3A_1011, %mul3A_1012 : i32
      %add3A_1014 = arith.constant 5 : i32
      %add3A_1015 = arith.addi %mul3A_1013, %add3A_1014 : i32
      %dma_start3A_1016 = arith.constant 5 : i32
      %dma_start3A_1017 = arith.constant 0 : i32
      %dma_start3A_1018 = arith.constant 0 : i32
      %dma_start3A_1019 = tpu.memref_slice %arg6[%dma_start3A_1016, %dma_start3A_1017, %dma_start3A_1018] : memref<10x64x64xf32, #tpu.memory_space<vmem>> -> memref<1x64x64xf32, #tpu.memory_space<vmem>>
      %dma_start3A_1020 = tpu.memref_squeeze %dma_start3A_1019 : memref<1x64x64xf32, #tpu.memory_space<vmem>> -> memref<64x64xf32, #tpu.memory_space<vmem>>
      %dma_start3A_1021 = arith.constant 0 : i32
      %dma_start3A_1022 = tpu.memref_slice %arg5[%add3A_1015, %dma_start3A_1021] : memref<100x64xi32, #tpu.memory_space<vmem>> -> memref<1x64xi32, #tpu.memory_space<vmem>>
      %dma_start3A_1023 = tpu.memref_squeeze %dma_start3A_1022 : memref<1x64xi32, #tpu.memory_space<vmem>> -> memref<64xi32, #tpu.memory_space<vmem>>
      %dma_start3A_1024 = arith.constant 0 : i32
      %dma_start3A_1025 = arith.constant 0 : i32
      %dma_start3A_1026 = tpu.memref_slice %arg2[%dma_start3A_1024, %dma_start3A_1025] : memref<2000000x64xf32, #tpu.memory_space<hbm>> -> memref<2000000x64xf32, #tpu.memory_space<hbm>>
      tpu.enqueue_indirect_dma source(%dma_start3A_1026 : memref<2000000x64xf32, #tpu.memory_space<hbm>>) target(%dma_start3A_1020 : memref<64x64xf32, #tpu.memory_space<vmem>>) offsets(%dma_start3A_1023 : memref<64xi32, #tpu.memory_space<vmem>>) semaphore(%arg12 : memref<!tpu.dma_semaphore, #tpu.memory_space<semaphore_mem>>)
      %dma_wait3A_1027 = arith.constant 6 : i32
      %dma_wait3A_1028 = arith.constant 0 : i32
      %dma_wait3A_1029 = arith.constant 0 : i32
      %dma_wait3A_1030 = tpu.memref_slice %arg6[%dma_wait3A_1027, %dma_wait3A_1028, %dma_wait3A_1029] : memref<10x64x64xf32, #tpu.memory_space<vmem>> -> memref<1x64x64xf32, #tpu.memory_space<vmem>>
      %dma_wait3A_1031 = tpu.memref_squeeze %dma_wait3A_1030 : memref<1x64x64xf32, #tpu.memory_space<vmem>> -> memref<64x64xf32, #tpu.memory_space<vmem>>
      %dma_wait3A_1032 = arith.constant 0 : i32
      %dma_wait3A_1033 = tpu.memref_slice %arg4[%mul3A_2, %dma_wait3A_1032] : memref<204800x64xf32, #tpu.memory_space<hbm>> -> memref<64x64xf32, #tpu.memory_space<hbm>>
      %dma_wait3A_1034 = arith.constant 0 : i32
      %dma_wait3A_1035 = tpu.memref_slice %arg4[%mul3A_2, %dma_wait3A_1034] : memref<204800x64xf32, #tpu.memory_space<hbm>> -> memref<64x64xf32, #tpu.memory_space<hbm>>
      %dma_wait3A_1036 = arith.constant 0 : i32
      %dma_wait3A_1037 = arith.constant 0 : i32
      %dma_wait3A_1038 = tpu.memref_slice %arg6[%dma_wait3A_1027, %dma_wait3A_1036, %dma_wait3A_1037] : memref<10x64x64xf32, #tpu.memory_space<vmem>> -> memref<1x64x64xf32, #tpu.memory_space<vmem>>
      %dma_wait3A_1039 = tpu.memref_squeeze %dma_wait3A_1038 : memref<1x64x64xf32, #tpu.memory_space<vmem>> -> memref<64x64xf32, #tpu.memory_space<vmem>>
      tpu.wait_dma2 semaphore(%arg23 : memref<!tpu.dma_semaphore, #tpu.memory_space<semaphore_mem>>) src(%dma_wait3A_1039 : memref<64x64xf32, #tpu.memory_space<vmem>>) dst(%dma_wait3A_1035 : memref<64x64xf32, #tpu.memory_space<hbm>>)
      %add3A_1040 = arith.constant 1 : i32
      %add3A_1041 = arith.addi %scan3A_526, %add3A_1040 : i32
      %mul3A_1042 = arith.constant 10 : i32
      %mul3A_1043 = arith.muli %add3A_1041, %mul3A_1042 : i32
      %add3A_1044 = arith.constant 6 : i32
      %add3A_1045 = arith.addi %mul3A_1043, %add3A_1044 : i32
      %dma_start3A_1046 = arith.constant 6 : i32
      %dma_start3A_1047 = arith.constant 0 : i32
      %dma_start3A_1048 = arith.constant 0 : i32
      %dma_start3A_1049 = tpu.memref_slice %arg6[%dma_start3A_1046, %dma_start3A_1047, %dma_start3A_1048] : memref<10x64x64xf32, #tpu.memory_space<vmem>> -> memref<1x64x64xf32, #tpu.memory_space<vmem>>
      %dma_start3A_1050 = tpu.memref_squeeze %dma_start3A_1049 : memref<1x64x64xf32, #tpu.memory_space<vmem>> -> memref<64x64xf32, #tpu.memory_space<vmem>>
      %dma_start3A_1051 = arith.constant 0 : i32
      %dma_start3A_1052 = tpu.memref_slice %arg5[%add3A_1045, %dma_start3A_1051] : memref<100x64xi32, #tpu.memory_space<vmem>> -> memref<1x64xi32, #tpu.memory_space<vmem>>
      %dma_start3A_1053 = tpu.memref_squeeze %dma_start3A_1052 : memref<1x64xi32, #tpu.memory_space<vmem>> -> memref<64xi32, #tpu.memory_space<vmem>>
      %dma_start3A_1054 = arith.constant 0 : i32
      %dma_start3A_1055 = arith.constant 0 : i32
      %dma_start3A_1056 = tpu.memref_slice %arg2[%dma_start3A_1054, %dma_start3A_1055] : memref<2000000x64xf32, #tpu.memory_space<hbm>> -> memref<2000000x64xf32, #tpu.memory_space<hbm>>
      tpu.enqueue_indirect_dma source(%dma_start3A_1056 : memref<2000000x64xf32, #tpu.memory_space<hbm>>) target(%dma_start3A_1050 : memref<64x64xf32, #tpu.memory_space<vmem>>) offsets(%dma_start3A_1053 : memref<64xi32, #tpu.memory_space<vmem>>) semaphore(%arg13 : memref<!tpu.dma_semaphore, #tpu.memory_space<semaphore_mem>>)
      %dma_wait3A_1057 = arith.constant 7 : i32
      %dma_wait3A_1058 = arith.constant 0 : i32
      %dma_wait3A_1059 = arith.constant 0 : i32
      %dma_wait3A_1060 = tpu.memref_slice %arg6[%dma_wait3A_1057, %dma_wait3A_1058, %dma_wait3A_1059] : memref<10x64x64xf32, #tpu.memory_space<vmem>> -> memref<1x64x64xf32, #tpu.memory_space<vmem>>
      %dma_wait3A_1061 = tpu.memref_squeeze %dma_wait3A_1060 : memref<1x64x64xf32, #tpu.memory_space<vmem>> -> memref<64x64xf32, #tpu.memory_space<vmem>>
      %dma_wait3A_1062 = arith.constant 0 : i32
      %dma_wait3A_1063 = tpu.memref_slice %arg4[%mul3A_2, %dma_wait3A_1062] : memref<204800x64xf32, #tpu.memory_space<hbm>> -> memref<64x64xf32, #tpu.memory_space<hbm>>
      %dma_wait3A_1064 = arith.constant 0 : i32
      %dma_wait3A_1065 = tpu.memref_slice %arg4[%mul3A_2, %dma_wait3A_1064] : memref<204800x64xf32, #tpu.memory_space<hbm>> -> memref<64x64xf32, #tpu.memory_space<hbm>>
      %dma_wait3A_1066 = arith.constant 0 : i32
      %dma_wait3A_1067 = arith.constant 0 : i32
      %dma_wait3A_1068 = tpu.memref_slice %arg6[%dma_wait3A_1057, %dma_wait3A_1066, %dma_wait3A_1067] : memref<10x64x64xf32, #tpu.memory_space<vmem>> -> memref<1x64x64xf32, #tpu.memory_space<vmem>>
      %dma_wait3A_1069 = tpu.memref_squeeze %dma_wait3A_1068 : memref<1x64x64xf32, #tpu.memory_space<vmem>> -> memref<64x64xf32, #tpu.memory_space<vmem>>
      tpu.wait_dma2 semaphore(%arg24 : memref<!tpu.dma_semaphore, #tpu.memory_space<semaphore_mem>>) src(%dma_wait3A_1069 : memref<64x64xf32, #tpu.memory_space<vmem>>) dst(%dma_wait3A_1065 : memref<64x64xf32, #tpu.memory_space<hbm>>)
      %add3A_1070 = arith.constant 1 : i32
      %add3A_1071 = arith.addi %scan3A_526, %add3A_1070 : i32
      %mul3A_1072 = arith.constant 10 : i32
      %mul3A_1073 = arith.muli %add3A_1071, %mul3A_1072 : i32
      %add3A_1074 = arith.constant 7 : i32
      %add3A_1075 = arith.addi %mul3A_1073, %add3A_1074 : i32
      %dma_start3A_1076 = arith.constant 7 : i32
      %dma_start3A_1077 = arith.constant 0 : i32
      %dma_start3A_1078 = arith.constant 0 : i32
      %dma_start3A_1079 = tpu.memref_slice %arg6[%dma_start3A_1076, %dma_start3A_1077, %dma_start3A_1078] : memref<10x64x64xf32, #tpu.memory_space<vmem>> -> memref<1x64x64xf32, #tpu.memory_space<vmem>>
      %dma_start3A_1080 = tpu.memref_squeeze %dma_start3A_1079 : memref<1x64x64xf32, #tpu.memory_space<vmem>> -> memref<64x64xf32, #tpu.memory_space<vmem>>
      %dma_start3A_1081 = arith.constant 0 : i32
      %dma_start3A_1082 = tpu.memref_slice %arg5[%add3A_1075, %dma_start3A_1081] : memref<100x64xi32, #tpu.memory_space<vmem>> -> memref<1x64xi32, #tpu.memory_space<vmem>>
      %dma_start3A_1083 = tpu.memref_squeeze %dma_start3A_1082 : memref<1x64xi32, #tpu.memory_space<vmem>> -> memref<64xi32, #tpu.memory_space<vmem>>
      %dma_start3A_1084 = arith.constant 0 : i32
      %dma_start3A_1085 = arith.constant 0 : i32
      %dma_start3A_1086 = tpu.memref_slice %arg2[%dma_start3A_1084, %dma_start3A_1085] : memref<2000000x64xf32, #tpu.memory_space<hbm>> -> memref<2000000x64xf32, #tpu.memory_space<hbm>>
      tpu.enqueue_indirect_dma source(%dma_start3A_1086 : memref<2000000x64xf32, #tpu.memory_space<hbm>>) target(%dma_start3A_1080 : memref<64x64xf32, #tpu.memory_space<vmem>>) offsets(%dma_start3A_1083 : memref<64xi32, #tpu.memory_space<vmem>>) semaphore(%arg14 : memref<!tpu.dma_semaphore, #tpu.memory_space<semaphore_mem>>)
      %dma_wait3A_1087 = arith.constant 8 : i32
      %dma_wait3A_1088 = arith.constant 0 : i32
      %dma_wait3A_1089 = arith.constant 0 : i32
      %dma_wait3A_1090 = tpu.memref_slice %arg6[%dma_wait3A_1087, %dma_wait3A_1088, %dma_wait3A_1089] : memref<10x64x64xf32, #tpu.memory_space<vmem>> -> memref<1x64x64xf32, #tpu.memory_space<vmem>>
      %dma_wait3A_1091 = tpu.memref_squeeze %dma_wait3A_1090 : memref<1x64x64xf32, #tpu.memory_space<vmem>> -> memref<64x64xf32, #tpu.memory_space<vmem>>
      %dma_wait3A_1092 = arith.constant 0 : i32
      %dma_wait3A_1093 = tpu.memref_slice %arg4[%mul3A_2, %dma_wait3A_1092] : memref<204800x64xf32, #tpu.memory_space<hbm>> -> memref<64x64xf32, #tpu.memory_space<hbm>>
      %dma_wait3A_1094 = arith.constant 0 : i32
      %dma_wait3A_1095 = tpu.memref_slice %arg4[%mul3A_2, %dma_wait3A_1094] : memref<204800x64xf32, #tpu.memory_space<hbm>> -> memref<64x64xf32, #tpu.memory_space<hbm>>
      %dma_wait3A_1096 = arith.constant 0 : i32
      %dma_wait3A_1097 = arith.constant 0 : i32
      %dma_wait3A_1098 = tpu.memref_slice %arg6[%dma_wait3A_1087, %dma_wait3A_1096, %dma_wait3A_1097] : memref<10x64x64xf32, #tpu.memory_space<vmem>> -> memref<1x64x64xf32, #tpu.memory_space<vmem>>
      %dma_wait3A_1099 = tpu.memref_squeeze %dma_wait3A_1098 : memref<1x64x64xf32, #tpu.memory_space<vmem>> -> memref<64x64xf32, #tpu.memory_space<vmem>>
      tpu.wait_dma2 semaphore(%arg25 : memref<!tpu.dma_semaphore, #tpu.memory_space<semaphore_mem>>) src(%dma_wait3A_1099 : memref<64x64xf32, #tpu.memory_space<vmem>>) dst(%dma_wait3A_1095 : memref<64x64xf32, #tpu.memory_space<hbm>>)
      %add3A_1100 = arith.constant 1 : i32
      %add3A_1101 = arith.addi %scan3A_526, %add3A_1100 : i32
      %mul3A_1102 = arith.constant 10 : i32
      %mul3A_1103 = arith.muli %add3A_1101, %mul3A_1102 : i32
      %add3A_1104 = arith.constant 8 : i32
      %add3A_1105 = arith.addi %mul3A_1103, %add3A_1104 : i32
      %dma_start3A_1106 = arith.constant 8 : i32
      %dma_start3A_1107 = arith.constant 0 : i32
      %dma_start3A_1108 = arith.constant 0 : i32
      %dma_start3A_1109 = tpu.memref_slice %arg6[%dma_start3A_1106, %dma_start3A_1107, %dma_start3A_1108] : memref<10x64x64xf32, #tpu.memory_space<vmem>> -> memref<1x64x64xf32, #tpu.memory_space<vmem>>
      %dma_start3A_1110 = tpu.memref_squeeze %dma_start3A_1109 : memref<1x64x64xf32, #tpu.memory_space<vmem>> -> memref<64x64xf32, #tpu.memory_space<vmem>>
      %dma_start3A_1111 = arith.constant 0 : i32
      %dma_start3A_1112 = tpu.memref_slice %arg5[%add3A_1105, %dma_start3A_1111] : memref<100x64xi32, #tpu.memory_space<vmem>> -> memref<1x64xi32, #tpu.memory_space<vmem>>
      %dma_start3A_1113 = tpu.memref_squeeze %dma_start3A_1112 : memref<1x64xi32, #tpu.memory_space<vmem>> -> memref<64xi32, #tpu.memory_space<vmem>>
      %dma_start3A_1114 = arith.constant 0 : i32
      %dma_start3A_1115 = arith.constant 0 : i32
      %dma_start3A_1116 = tpu.memref_slice %arg2[%dma_start3A_1114, %dma_start3A_1115] : memref<2000000x64xf32, #tpu.memory_space<hbm>> -> memref<2000000x64xf32, #tpu.memory_space<hbm>>
      tpu.enqueue_indirect_dma source(%dma_start3A_1116 : memref<2000000x64xf32, #tpu.memory_space<hbm>>) target(%dma_start3A_1110 : memref<64x64xf32, #tpu.memory_space<vmem>>) offsets(%dma_start3A_1113 : memref<64xi32, #tpu.memory_space<vmem>>) semaphore(%arg15 : memref<!tpu.dma_semaphore, #tpu.memory_space<semaphore_mem>>)
      %dma_wait3A_1117 = arith.constant 9 : i32
      %dma_wait3A_1118 = arith.constant 0 : i32
      %dma_wait3A_1119 = arith.constant 0 : i32
      %dma_wait3A_1120 = tpu.memref_slice %arg6[%dma_wait3A_1117, %dma_wait3A_1118, %dma_wait3A_1119] : memref<10x64x64xf32, #tpu.memory_space<vmem>> -> memref<1x64x64xf32, #tpu.memory_space<vmem>>
      %dma_wait3A_1121 = tpu.memref_squeeze %dma_wait3A_1120 : memref<1x64x64xf32, #tpu.memory_space<vmem>> -> memref<64x64xf32, #tpu.memory_space<vmem>>
      %dma_wait3A_1122 = arith.constant 0 : i32
      %dma_wait3A_1123 = tpu.memref_slice %arg4[%mul3A_2, %dma_wait3A_1122] : memref<204800x64xf32, #tpu.memory_space<hbm>> -> memref<64x64xf32, #tpu.memory_space<hbm>>
      %dma_wait3A_1124 = arith.constant 0 : i32
      %dma_wait3A_1125 = tpu.memref_slice %arg4[%mul3A_2, %dma_wait3A_1124] : memref<204800x64xf32, #tpu.memory_space<hbm>> -> memref<64x64xf32, #tpu.memory_space<hbm>>
      %dma_wait3A_1126 = arith.constant 0 : i32
      %dma_wait3A_1127 = arith.constant 0 : i32
      %dma_wait3A_1128 = tpu.memref_slice %arg6[%dma_wait3A_1117, %dma_wait3A_1126, %dma_wait3A_1127] : memref<10x64x64xf32, #tpu.memory_space<vmem>> -> memref<1x64x64xf32, #tpu.memory_space<vmem>>
      %dma_wait3A_1129 = tpu.memref_squeeze %dma_wait3A_1128 : memref<1x64x64xf32, #tpu.memory_space<vmem>> -> memref<64x64xf32, #tpu.memory_space<vmem>>
      tpu.wait_dma2 semaphore(%arg26 : memref<!tpu.dma_semaphore, #tpu.memory_space<semaphore_mem>>) src(%dma_wait3A_1129 : memref<64x64xf32, #tpu.memory_space<vmem>>) dst(%dma_wait3A_1125 : memref<64x64xf32, #tpu.memory_space<hbm>>)
      %add3A_1130 = arith.constant 1 : i32
      %add3A_1131 = arith.addi %scan3A_526, %add3A_1130 : i32
      %mul3A_1132 = arith.constant 10 : i32
      %mul3A_1133 = arith.muli %add3A_1131, %mul3A_1132 : i32
      %add3A_1134 = arith.constant 9 : i32
      %add3A_1135 = arith.addi %mul3A_1133, %add3A_1134 : i32
      %dma_start3A_1136 = arith.constant 9 : i32
      %dma_start3A_1137 = arith.constant 0 : i32
      %dma_start3A_1138 = arith.constant 0 : i32
      %dma_start3A_1139 = tpu.memref_slice %arg6[%dma_start3A_1136, %dma_start3A_1137, %dma_start3A_1138] : memref<10x64x64xf32, #tpu.memory_space<vmem>> -> memref<1x64x64xf32, #tpu.memory_space<vmem>>
      %dma_start3A_1140 = tpu.memref_squeeze %dma_start3A_1139 : memref<1x64x64xf32, #tpu.memory_space<vmem>> -> memref<64x64xf32, #tpu.memory_space<vmem>>
      %dma_start3A_1141 = arith.constant 0 : i32
      %dma_start3A_1142 = tpu.memref_slice %arg5[%add3A_1135, %dma_start3A_1141] : memref<100x64xi32, #tpu.memory_space<vmem>> -> memref<1x64xi32, #tpu.memory_space<vmem>>
      %dma_start3A_1143 = tpu.memref_squeeze %dma_start3A_1142 : memref<1x64xi32, #tpu.memory_space<vmem>> -> memref<64xi32, #tpu.memory_space<vmem>>
      %dma_start3A_1144 = arith.constant 0 : i32
      %dma_start3A_1145 = arith.constant 0 : i32
      %dma_start3A_1146 = tpu.memref_slice %arg2[%dma_start3A_1144, %dma_start3A_1145] : memref<2000000x64xf32, #tpu.memory_space<hbm>> -> memref<2000000x64xf32, #tpu.memory_space<hbm>>
      tpu.enqueue_indirect_dma source(%dma_start3A_1146 : memref<2000000x64xf32, #tpu.memory_space<hbm>>) target(%dma_start3A_1140 : memref<64x64xf32, #tpu.memory_space<vmem>>) offsets(%dma_start3A_1143 : memref<64xi32, #tpu.memory_space<vmem>>) semaphore(%arg16 : memref<!tpu.dma_semaphore, #tpu.memory_space<semaphore_mem>>)
    }
    %scan3A_126 = arith.constant 9 : i32
    %dma_wait3A = arith.constant 0 : i32
    %dma_wait3A_127 = arith.constant 0 : i32
    %dma_wait3A_128 = arith.constant 0 : i32
    %dma_wait3A_129 = arith.constant 0 : i32
    %dma_wait3A_130 = tpu.memref_slice %arg6[%dma_wait3A_127, %dma_wait3A_128, %dma_wait3A_129] : memref<10x64x64xf32, #tpu.memory_space<vmem>> -> memref<1x64x64xf32, #tpu.memory_space<vmem>>
    %dma_wait3A_131 = tpu.memref_squeeze %dma_wait3A_130 : memref<1x64x64xf32, #tpu.memory_space<vmem>> -> memref<64x64xf32, #tpu.memory_space<vmem>>
    %dma_wait3A_132 = arith.constant 0 : i32
    %dma_wait3A_133 = tpu.memref_slice %arg5[%dma_wait3A, %dma_wait3A_132] : memref<100x64xi32, #tpu.memory_space<vmem>> -> memref<1x64xi32, #tpu.memory_space<vmem>>
    %dma_wait3A_134 = tpu.memref_squeeze %dma_wait3A_133 : memref<1x64xi32, #tpu.memory_space<vmem>> -> memref<64xi32, #tpu.memory_space<vmem>>
    %dma_wait3A_135 = arith.constant 0 : i32
    %dma_wait3A_136 = arith.constant 0 : i32
    %dma_wait3A_137 = tpu.memref_slice %arg2[%dma_wait3A_135, %dma_wait3A_136] : memref<2000000x64xf32, #tpu.memory_space<hbm>> -> memref<2000000x64xf32, #tpu.memory_space<hbm>>
    tpu.wait_indirect_dma semaphore(%arg7 : memref<!tpu.dma_semaphore, #tpu.memory_space<semaphore_mem>>) src(%dma_wait3A_137 : memref<2000000x64xf32, #tpu.memory_space<hbm>>) dst(%dma_wait3A_131 : memref<64x64xf32, #tpu.memory_space<vmem>>)
    %add3A_138 = arith.constant 5760 : i32
    %add3A_139 = arith.addi %mul3A_2, %add3A_138 : i32
    %dma_start3A_140 = arith.constant 0 : i32
    %dma_start3A_141 = arith.constant 0 : i32
    %dma_start3A_142 = arith.constant 0 : i32
    %dma_start3A_143 = tpu.memref_slice %arg6[%dma_start3A_140, %dma_start3A_141, %dma_start3A_142] : memref<10x64x64xf32, #tpu.memory_space<vmem>> -> memref<1x64x64xf32, #tpu.memory_space<vmem>>
    %dma_start3A_144 = tpu.memref_squeeze %dma_start3A_143 : memref<1x64x64xf32, #tpu.memory_space<vmem>> -> memref<64x64xf32, #tpu.memory_space<vmem>>
    %dma_start3A_145 = arith.constant 0 : i32
    %dma_start3A_146 = tpu.memref_slice %arg4[%add3A_139, %dma_start3A_145] : memref<204800x64xf32, #tpu.memory_space<hbm>> -> memref<64x64xf32, #tpu.memory_space<hbm>>
    %dma_start3A_147 = arith.constant 0 : i32
    %dma_start3A_148 = tpu.memref_slice %arg4[%add3A_139, %dma_start3A_147] : memref<204800x64xf32, #tpu.memory_space<hbm>> -> memref<64x64xf32, #tpu.memory_space<hbm>>
    %dma_start3A_149 = arith.constant 0 : i32
    %dma_start3A_150 = arith.constant 0 : i32
    %dma_start3A_151 = tpu.memref_slice %arg6[%dma_start3A_140, %dma_start3A_149, %dma_start3A_150] : memref<10x64x64xf32, #tpu.memory_space<vmem>> -> memref<1x64x64xf32, #tpu.memory_space<vmem>>
    %dma_start3A_152 = tpu.memref_squeeze %dma_start3A_151 : memref<1x64x64xf32, #tpu.memory_space<vmem>> -> memref<64x64xf32, #tpu.memory_space<vmem>>
    tpu.enqueue_dma source(%dma_start3A_152 : memref<64x64xf32, #tpu.memory_space<vmem>>) target(%dma_start3A_148 : memref<64x64xf32, #tpu.memory_space<hbm>>) target_semaphore(%arg17 : memref<!tpu.dma_semaphore, #tpu.memory_space<semaphore_mem>>)
    %dma_wait3A_153 = arith.constant 0 : i32
    %dma_wait3A_154 = arith.constant 1 : i32
    %dma_wait3A_155 = arith.constant 0 : i32
    %dma_wait3A_156 = arith.constant 0 : i32
    %dma_wait3A_157 = tpu.memref_slice %arg6[%dma_wait3A_154, %dma_wait3A_155, %dma_wait3A_156] : memref<10x64x64xf32, #tpu.memory_space<vmem>> -> memref<1x64x64xf32, #tpu.memory_space<vmem>>
    %dma_wait3A_158 = tpu.memref_squeeze %dma_wait3A_157 : memref<1x64x64xf32, #tpu.memory_space<vmem>> -> memref<64x64xf32, #tpu.memory_space<vmem>>
    %dma_wait3A_159 = arith.constant 0 : i32
    %dma_wait3A_160 = tpu.memref_slice %arg5[%dma_wait3A_153, %dma_wait3A_159] : memref<100x64xi32, #tpu.memory_space<vmem>> -> memref<1x64xi32, #tpu.memory_space<vmem>>
    %dma_wait3A_161 = tpu.memref_squeeze %dma_wait3A_160 : memref<1x64xi32, #tpu.memory_space<vmem>> -> memref<64xi32, #tpu.memory_space<vmem>>
    %dma_wait3A_162 = arith.constant 0 : i32
    %dma_wait3A_163 = arith.constant 0 : i32
    %dma_wait3A_164 = tpu.memref_slice %arg2[%dma_wait3A_162, %dma_wait3A_163] : memref<2000000x64xf32, #tpu.memory_space<hbm>> -> memref<2000000x64xf32, #tpu.memory_space<hbm>>
    tpu.wait_indirect_dma semaphore(%arg8 : memref<!tpu.dma_semaphore, #tpu.memory_space<semaphore_mem>>) src(%dma_wait3A_164 : memref<2000000x64xf32, #tpu.memory_space<hbm>>) dst(%dma_wait3A_158 : memref<64x64xf32, #tpu.memory_space<vmem>>)
    %add3A_165 = arith.constant 5824 : i32
    %add3A_166 = arith.addi %mul3A_2, %add3A_165 : i32
    %dma_start3A_167 = arith.constant 1 : i32
    %dma_start3A_168 = arith.constant 0 : i32
    %dma_start3A_169 = arith.constant 0 : i32
    %dma_start3A_170 = tpu.memref_slice %arg6[%dma_start3A_167, %dma_start3A_168, %dma_start3A_169] : memref<10x64x64xf32, #tpu.memory_space<vmem>> -> memref<1x64x64xf32, #tpu.memory_space<vmem>>
    %dma_start3A_171 = tpu.memref_squeeze %dma_start3A_170 : memref<1x64x64xf32, #tpu.memory_space<vmem>> -> memref<64x64xf32, #tpu.memory_space<vmem>>
    %dma_start3A_172 = arith.constant 0 : i32
    %dma_start3A_173 = tpu.memref_slice %arg4[%add3A_166, %dma_start3A_172] : memref<204800x64xf32, #tpu.memory_space<hbm>> -> memref<64x64xf32, #tpu.memory_space<hbm>>
    %dma_start3A_174 = arith.constant 0 : i32
    %dma_start3A_175 = tpu.memref_slice %arg4[%add3A_166, %dma_start3A_174] : memref<204800x64xf32, #tpu.memory_space<hbm>> -> memref<64x64xf32, #tpu.memory_space<hbm>>
    %dma_start3A_176 = arith.constant 0 : i32
    %dma_start3A_177 = arith.constant 0 : i32
    %dma_start3A_178 = tpu.memref_slice %arg6[%dma_start3A_167, %dma_start3A_176, %dma_start3A_177] : memref<10x64x64xf32, #tpu.memory_space<vmem>> -> memref<1x64x64xf32, #tpu.memory_space<vmem>>
    %dma_start3A_179 = tpu.memref_squeeze %dma_start3A_178 : memref<1x64x64xf32, #tpu.memory_space<vmem>> -> memref<64x64xf32, #tpu.memory_space<vmem>>
    tpu.enqueue_dma source(%dma_start3A_179 : memref<64x64xf32, #tpu.memory_space<vmem>>) target(%dma_start3A_175 : memref<64x64xf32, #tpu.memory_space<hbm>>) target_semaphore(%arg18 : memref<!tpu.dma_semaphore, #tpu.memory_space<semaphore_mem>>)
    %dma_wait3A_180 = arith.constant 0 : i32
    %dma_wait3A_181 = arith.constant 2 : i32
    %dma_wait3A_182 = arith.constant 0 : i32
    %dma_wait3A_183 = arith.constant 0 : i32
    %dma_wait3A_184 = tpu.memref_slice %arg6[%dma_wait3A_181, %dma_wait3A_182, %dma_wait3A_183] : memref<10x64x64xf32, #tpu.memory_space<vmem>> -> memref<1x64x64xf32, #tpu.memory_space<vmem>>
    %dma_wait3A_185 = tpu.memref_squeeze %dma_wait3A_184 : memref<1x64x64xf32, #tpu.memory_space<vmem>> -> memref<64x64xf32, #tpu.memory_space<vmem>>
    %dma_wait3A_186 = arith.constant 0 : i32
    %dma_wait3A_187 = tpu.memref_slice %arg5[%dma_wait3A_180, %dma_wait3A_186] : memref<100x64xi32, #tpu.memory_space<vmem>> -> memref<1x64xi32, #tpu.memory_space<vmem>>
    %dma_wait3A_188 = tpu.memref_squeeze %dma_wait3A_187 : memref<1x64xi32, #tpu.memory_space<vmem>> -> memref<64xi32, #tpu.memory_space<vmem>>
    %dma_wait3A_189 = arith.constant 0 : i32
    %dma_wait3A_190 = arith.constant 0 : i32
    %dma_wait3A_191 = tpu.memref_slice %arg2[%dma_wait3A_189, %dma_wait3A_190] : memref<2000000x64xf32, #tpu.memory_space<hbm>> -> memref<2000000x64xf32, #tpu.memory_space<hbm>>
    tpu.wait_indirect_dma semaphore(%arg9 : memref<!tpu.dma_semaphore, #tpu.memory_space<semaphore_mem>>) src(%dma_wait3A_191 : memref<2000000x64xf32, #tpu.memory_space<hbm>>) dst(%dma_wait3A_185 : memref<64x64xf32, #tpu.memory_space<vmem>>)
    %add3A_192 = arith.constant 5888 : i32
    %add3A_193 = arith.addi %mul3A_2, %add3A_192 : i32
    %dma_start3A_194 = arith.constant 2 : i32
    %dma_start3A_195 = arith.constant 0 : i32
    %dma_start3A_196 = arith.constant 0 : i32
    %dma_start3A_197 = tpu.memref_slice %arg6[%dma_start3A_194, %dma_start3A_195, %dma_start3A_196] : memref<10x64x64xf32, #tpu.memory_space<vmem>> -> memref<1x64x64xf32, #tpu.memory_space<vmem>>
    %dma_start3A_198 = tpu.memref_squeeze %dma_start3A_197 : memref<1x64x64xf32, #tpu.memory_space<vmem>> -> memref<64x64xf32, #tpu.memory_space<vmem>>
    %dma_start3A_199 = arith.constant 0 : i32
    %dma_start3A_200 = tpu.memref_slice %arg4[%add3A_193, %dma_start3A_199] : memref<204800x64xf32, #tpu.memory_space<hbm>> -> memref<64x64xf32, #tpu.memory_space<hbm>>
    %dma_start3A_201 = arith.constant 0 : i32
    %dma_start3A_202 = tpu.memref_slice %arg4[%add3A_193, %dma_start3A_201] : memref<204800x64xf32, #tpu.memory_space<hbm>> -> memref<64x64xf32, #tpu.memory_space<hbm>>
    %dma_start3A_203 = arith.constant 0 : i32
    %dma_start3A_204 = arith.constant 0 : i32
    %dma_start3A_205 = tpu.memref_slice %arg6[%dma_start3A_194, %dma_start3A_203, %dma_start3A_204] : memref<10x64x64xf32, #tpu.memory_space<vmem>> -> memref<1x64x64xf32, #tpu.memory_space<vmem>>
    %dma_start3A_206 = tpu.memref_squeeze %dma_start3A_205 : memref<1x64x64xf32, #tpu.memory_space<vmem>> -> memref<64x64xf32, #tpu.memory_space<vmem>>
    tpu.enqueue_dma source(%dma_start3A_206 : memref<64x64xf32, #tpu.memory_space<vmem>>) target(%dma_start3A_202 : memref<64x64xf32, #tpu.memory_space<hbm>>) target_semaphore(%arg19 : memref<!tpu.dma_semaphore, #tpu.memory_space<semaphore_mem>>)
    %dma_wait3A_207 = arith.constant 0 : i32
    %dma_wait3A_208 = arith.constant 3 : i32
    %dma_wait3A_209 = arith.constant 0 : i32
    %dma_wait3A_210 = arith.constant 0 : i32
    %dma_wait3A_211 = tpu.memref_slice %arg6[%dma_wait3A_208, %dma_wait3A_209, %dma_wait3A_210] : memref<10x64x64xf32, #tpu.memory_space<vmem>> -> memref<1x64x64xf32, #tpu.memory_space<vmem>>
    %dma_wait3A_212 = tpu.memref_squeeze %dma_wait3A_211 : memref<1x64x64xf32, #tpu.memory_space<vmem>> -> memref<64x64xf32, #tpu.memory_space<vmem>>
    %dma_wait3A_213 = arith.constant 0 : i32
    %dma_wait3A_214 = tpu.memref_slice %arg5[%dma_wait3A_207, %dma_wait3A_213] : memref<100x64xi32, #tpu.memory_space<vmem>> -> memref<1x64xi32, #tpu.memory_space<vmem>>
    %dma_wait3A_215 = tpu.memref_squeeze %dma_wait3A_214 : memref<1x64xi32, #tpu.memory_space<vmem>> -> memref<64xi32, #tpu.memory_space<vmem>>
    %dma_wait3A_216 = arith.constant 0 : i32
    %dma_wait3A_217 = arith.constant 0 : i32
    %dma_wait3A_218 = tpu.memref_slice %arg2[%dma_wait3A_216, %dma_wait3A_217] : memref<2000000x64xf32, #tpu.memory_space<hbm>> -> memref<2000000x64xf32, #tpu.memory_space<hbm>>
    tpu.wait_indirect_dma semaphore(%arg10 : memref<!tpu.dma_semaphore, #tpu.memory_space<semaphore_mem>>) src(%dma_wait3A_218 : memref<2000000x64xf32, #tpu.memory_space<hbm>>) dst(%dma_wait3A_212 : memref<64x64xf32, #tpu.memory_space<vmem>>)
    %add3A_219 = arith.constant 5952 : i32
    %add3A_220 = arith.addi %mul3A_2, %add3A_219 : i32
    %dma_start3A_221 = arith.constant 3 : i32
    %dma_start3A_222 = arith.constant 0 : i32
    %dma_start3A_223 = arith.constant 0 : i32
    %dma_start3A_224 = tpu.memref_slice %arg6[%dma_start3A_221, %dma_start3A_222, %dma_start3A_223] : memref<10x64x64xf32, #tpu.memory_space<vmem>> -> memref<1x64x64xf32, #tpu.memory_space<vmem>>
    %dma_start3A_225 = tpu.memref_squeeze %dma_start3A_224 : memref<1x64x64xf32, #tpu.memory_space<vmem>> -> memref<64x64xf32, #tpu.memory_space<vmem>>
    %dma_start3A_226 = arith.constant 0 : i32
    %dma_start3A_227 = tpu.memref_slice %arg4[%add3A_220, %dma_start3A_226] : memref<204800x64xf32, #tpu.memory_space<hbm>> -> memref<64x64xf32, #tpu.memory_space<hbm>>
    %dma_start3A_228 = arith.constant 0 : i32
    %dma_start3A_229 = tpu.memref_slice %arg4[%add3A_220, %dma_start3A_228] : memref<204800x64xf32, #tpu.memory_space<hbm>> -> memref<64x64xf32, #tpu.memory_space<hbm>>
    %dma_start3A_230 = arith.constant 0 : i32
    %dma_start3A_231 = arith.constant 0 : i32
    %dma_start3A_232 = tpu.memref_slice %arg6[%dma_start3A_221, %dma_start3A_230, %dma_start3A_231] : memref<10x64x64xf32, #tpu.memory_space<vmem>> -> memref<1x64x64xf32, #tpu.memory_space<vmem>>
    %dma_start3A_233 = tpu.memref_squeeze %dma_start3A_232 : memref<1x64x64xf32, #tpu.memory_space<vmem>> -> memref<64x64xf32, #tpu.memory_space<vmem>>
    tpu.enqueue_dma source(%dma_start3A_233 : memref<64x64xf32, #tpu.memory_space<vmem>>) target(%dma_start3A_229 : memref<64x64xf32, #tpu.memory_space<hbm>>) target_semaphore(%arg20 : memref<!tpu.dma_semaphore, #tpu.memory_space<semaphore_mem>>)
    %dma_wait3A_234 = arith.constant 0 : i32
    %dma_wait3A_235 = arith.constant 4 : i32
    %dma_wait3A_236 = arith.constant 0 : i32
    %dma_wait3A_237 = arith.constant 0 : i32
    %dma_wait3A_238 = tpu.memref_slice %arg6[%dma_wait3A_235, %dma_wait3A_236, %dma_wait3A_237] : memref<10x64x64xf32, #tpu.memory_space<vmem>> -> memref<1x64x64xf32, #tpu.memory_space<vmem>>
    %dma_wait3A_239 = tpu.memref_squeeze %dma_wait3A_238 : memref<1x64x64xf32, #tpu.memory_space<vmem>> -> memref<64x64xf32, #tpu.memory_space<vmem>>
    %dma_wait3A_240 = arith.constant 0 : i32
    %dma_wait3A_241 = tpu.memref_slice %arg5[%dma_wait3A_234, %dma_wait3A_240] : memref<100x64xi32, #tpu.memory_space<vmem>> -> memref<1x64xi32, #tpu.memory_space<vmem>>
    %dma_wait3A_242 = tpu.memref_squeeze %dma_wait3A_241 : memref<1x64xi32, #tpu.memory_space<vmem>> -> memref<64xi32, #tpu.memory_space<vmem>>
    %dma_wait3A_243 = arith.constant 0 : i32
    %dma_wait3A_244 = arith.constant 0 : i32
    %dma_wait3A_245 = tpu.memref_slice %arg2[%dma_wait3A_243, %dma_wait3A_244] : memref<2000000x64xf32, #tpu.memory_space<hbm>> -> memref<2000000x64xf32, #tpu.memory_space<hbm>>
    tpu.wait_indirect_dma semaphore(%arg11 : memref<!tpu.dma_semaphore, #tpu.memory_space<semaphore_mem>>) src(%dma_wait3A_245 : memref<2000000x64xf32, #tpu.memory_space<hbm>>) dst(%dma_wait3A_239 : memref<64x64xf32, #tpu.memory_space<vmem>>)
    %add3A_246 = arith.constant 6016 : i32
    %add3A_247 = arith.addi %mul3A_2, %add3A_246 : i32
    %dma_start3A_248 = arith.constant 4 : i32
    %dma_start3A_249 = arith.constant 0 : i32
    %dma_start3A_250 = arith.constant 0 : i32
    %dma_start3A_251 = tpu.memref_slice %arg6[%dma_start3A_248, %dma_start3A_249, %dma_start3A_250] : memref<10x64x64xf32, #tpu.memory_space<vmem>> -> memref<1x64x64xf32, #tpu.memory_space<vmem>>
    %dma_start3A_252 = tpu.memref_squeeze %dma_start3A_251 : memref<1x64x64xf32, #tpu.memory_space<vmem>> -> memref<64x64xf32, #tpu.memory_space<vmem>>
    %dma_start3A_253 = arith.constant 0 : i32
    %dma_start3A_254 = tpu.memref_slice %arg4[%add3A_247, %dma_start3A_253] : memref<204800x64xf32, #tpu.memory_space<hbm>> -> memref<64x64xf32, #tpu.memory_space<hbm>>
    %dma_start3A_255 = arith.constant 0 : i32
    %dma_start3A_256 = tpu.memref_slice %arg4[%add3A_247, %dma_start3A_255] : memref<204800x64xf32, #tpu.memory_space<hbm>> -> memref<64x64xf32, #tpu.memory_space<hbm>>
    %dma_start3A_257 = arith.constant 0 : i32
    %dma_start3A_258 = arith.constant 0 : i32
    %dma_start3A_259 = tpu.memref_slice %arg6[%dma_start3A_248, %dma_start3A_257, %dma_start3A_258] : memref<10x64x64xf32, #tpu.memory_space<vmem>> -> memref<1x64x64xf32, #tpu.memory_space<vmem>>
    %dma_start3A_260 = tpu.memref_squeeze %dma_start3A_259 : memref<1x64x64xf32, #tpu.memory_space<vmem>> -> memref<64x64xf32, #tpu.memory_space<vmem>>
    tpu.enqueue_dma source(%dma_start3A_260 : memref<64x64xf32, #tpu.memory_space<vmem>>) target(%dma_start3A_256 : memref<64x64xf32, #tpu.memory_space<hbm>>) target_semaphore(%arg21 : memref<!tpu.dma_semaphore, #tpu.memory_space<semaphore_mem>>)
    %dma_wait3A_261 = arith.constant 0 : i32
    %dma_wait3A_262 = arith.constant 5 : i32
    %dma_wait3A_263 = arith.constant 0 : i32
    %dma_wait3A_264 = arith.constant 0 : i32
    %dma_wait3A_265 = tpu.memref_slice %arg6[%dma_wait3A_262, %dma_wait3A_263, %dma_wait3A_264] : memref<10x64x64xf32, #tpu.memory_space<vmem>> -> memref<1x64x64xf32, #tpu.memory_space<vmem>>
    %dma_wait3A_266 = tpu.memref_squeeze %dma_wait3A_265 : memref<1x64x64xf32, #tpu.memory_space<vmem>> -> memref<64x64xf32, #tpu.memory_space<vmem>>
    %dma_wait3A_267 = arith.constant 0 : i32
    %dma_wait3A_268 = tpu.memref_slice %arg5[%dma_wait3A_261, %dma_wait3A_267] : memref<100x64xi32, #tpu.memory_space<vmem>> -> memref<1x64xi32, #tpu.memory_space<vmem>>
    %dma_wait3A_269 = tpu.memref_squeeze %dma_wait3A_268 : memref<1x64xi32, #tpu.memory_space<vmem>> -> memref<64xi32, #tpu.memory_space<vmem>>
    %dma_wait3A_270 = arith.constant 0 : i32
    %dma_wait3A_271 = arith.constant 0 : i32
    %dma_wait3A_272 = tpu.memref_slice %arg2[%dma_wait3A_270, %dma_wait3A_271] : memref<2000000x64xf32, #tpu.memory_space<hbm>> -> memref<2000000x64xf32, #tpu.memory_space<hbm>>
    tpu.wait_indirect_dma semaphore(%arg12 : memref<!tpu.dma_semaphore, #tpu.memory_space<semaphore_mem>>) src(%dma_wait3A_272 : memref<2000000x64xf32, #tpu.memory_space<hbm>>) dst(%dma_wait3A_266 : memref<64x64xf32, #tpu.memory_space<vmem>>)
    %add3A_273 = arith.constant 6080 : i32
    %add3A_274 = arith.addi %mul3A_2, %add3A_273 : i32
    %dma_start3A_275 = arith.constant 5 : i32
    %dma_start3A_276 = arith.constant 0 : i32
    %dma_start3A_277 = arith.constant 0 : i32
    %dma_start3A_278 = tpu.memref_slice %arg6[%dma_start3A_275, %dma_start3A_276, %dma_start3A_277] : memref<10x64x64xf32, #tpu.memory_space<vmem>> -> memref<1x64x64xf32, #tpu.memory_space<vmem>>
    %dma_start3A_279 = tpu.memref_squeeze %dma_start3A_278 : memref<1x64x64xf32, #tpu.memory_space<vmem>> -> memref<64x64xf32, #tpu.memory_space<vmem>>
    %dma_start3A_280 = arith.constant 0 : i32
    %dma_start3A_281 = tpu.memref_slice %arg4[%add3A_274, %dma_start3A_280] : memref<204800x64xf32, #tpu.memory_space<hbm>> -> memref<64x64xf32, #tpu.memory_space<hbm>>
    %dma_start3A_282 = arith.constant 0 : i32
    %dma_start3A_283 = tpu.memref_slice %arg4[%add3A_274, %dma_start3A_282] : memref<204800x64xf32, #tpu.memory_space<hbm>> -> memref<64x64xf32, #tpu.memory_space<hbm>>
    %dma_start3A_284 = arith.constant 0 : i32
    %dma_start3A_285 = arith.constant 0 : i32
    %dma_start3A_286 = tpu.memref_slice %arg6[%dma_start3A_275, %dma_start3A_284, %dma_start3A_285] : memref<10x64x64xf32, #tpu.memory_space<vmem>> -> memref<1x64x64xf32, #tpu.memory_space<vmem>>
    %dma_start3A_287 = tpu.memref_squeeze %dma_start3A_286 : memref<1x64x64xf32, #tpu.memory_space<vmem>> -> memref<64x64xf32, #tpu.memory_space<vmem>>
    tpu.enqueue_dma source(%dma_start3A_287 : memref<64x64xf32, #tpu.memory_space<vmem>>) target(%dma_start3A_283 : memref<64x64xf32, #tpu.memory_space<hbm>>) target_semaphore(%arg22 : memref<!tpu.dma_semaphore, #tpu.memory_space<semaphore_mem>>)
    %dma_wait3A_288 = arith.constant 0 : i32
    %dma_wait3A_289 = arith.constant 6 : i32
    %dma_wait3A_290 = arith.constant 0 : i32
    %dma_wait3A_291 = arith.constant 0 : i32
    %dma_wait3A_292 = tpu.memref_slice %arg6[%dma_wait3A_289, %dma_wait3A_290, %dma_wait3A_291] : memref<10x64x64xf32, #tpu.memory_space<vmem>> -> memref<1x64x64xf32, #tpu.memory_space<vmem>>
    %dma_wait3A_293 = tpu.memref_squeeze %dma_wait3A_292 : memref<1x64x64xf32, #tpu.memory_space<vmem>> -> memref<64x64xf32, #tpu.memory_space<vmem>>
    %dma_wait3A_294 = arith.constant 0 : i32
    %dma_wait3A_295 = tpu.memref_slice %arg5[%dma_wait3A_288, %dma_wait3A_294] : memref<100x64xi32, #tpu.memory_space<vmem>> -> memref<1x64xi32, #tpu.memory_space<vmem>>
    %dma_wait3A_296 = tpu.memref_squeeze %dma_wait3A_295 : memref<1x64xi32, #tpu.memory_space<vmem>> -> memref<64xi32, #tpu.memory_space<vmem>>
    %dma_wait3A_297 = arith.constant 0 : i32
    %dma_wait3A_298 = arith.constant 0 : i32
    %dma_wait3A_299 = tpu.memref_slice %arg2[%dma_wait3A_297, %dma_wait3A_298] : memref<2000000x64xf32, #tpu.memory_space<hbm>> -> memref<2000000x64xf32, #tpu.memory_space<hbm>>
    tpu.wait_indirect_dma semaphore(%arg13 : memref<!tpu.dma_semaphore, #tpu.memory_space<semaphore_mem>>) src(%dma_wait3A_299 : memref<2000000x64xf32, #tpu.memory_space<hbm>>) dst(%dma_wait3A_293 : memref<64x64xf32, #tpu.memory_space<vmem>>)
    %add3A_300 = arith.constant 6144 : i32
    %add3A_301 = arith.addi %mul3A_2, %add3A_300 : i32
    %dma_start3A_302 = arith.constant 6 : i32
    %dma_start3A_303 = arith.constant 0 : i32
    %dma_start3A_304 = arith.constant 0 : i32
    %dma_start3A_305 = tpu.memref_slice %arg6[%dma_start3A_302, %dma_start3A_303, %dma_start3A_304] : memref<10x64x64xf32, #tpu.memory_space<vmem>> -> memref<1x64x64xf32, #tpu.memory_space<vmem>>
    %dma_start3A_306 = tpu.memref_squeeze %dma_start3A_305 : memref<1x64x64xf32, #tpu.memory_space<vmem>> -> memref<64x64xf32, #tpu.memory_space<vmem>>
    %dma_start3A_307 = arith.constant 0 : i32
    %dma_start3A_308 = tpu.memref_slice %arg4[%add3A_301, %dma_start3A_307] : memref<204800x64xf32, #tpu.memory_space<hbm>> -> memref<64x64xf32, #tpu.memory_space<hbm>>
    %dma_start3A_309 = arith.constant 0 : i32
    %dma_start3A_310 = tpu.memref_slice %arg4[%add3A_301, %dma_start3A_309] : memref<204800x64xf32, #tpu.memory_space<hbm>> -> memref<64x64xf32, #tpu.memory_space<hbm>>
    %dma_start3A_311 = arith.constant 0 : i32
    %dma_start3A_312 = arith.constant 0 : i32
    %dma_start3A_313 = tpu.memref_slice %arg6[%dma_start3A_302, %dma_start3A_311, %dma_start3A_312] : memref<10x64x64xf32, #tpu.memory_space<vmem>> -> memref<1x64x64xf32, #tpu.memory_space<vmem>>
    %dma_start3A_314 = tpu.memref_squeeze %dma_start3A_313 : memref<1x64x64xf32, #tpu.memory_space<vmem>> -> memref<64x64xf32, #tpu.memory_space<vmem>>
    tpu.enqueue_dma source(%dma_start3A_314 : memref<64x64xf32, #tpu.memory_space<vmem>>) target(%dma_start3A_310 : memref<64x64xf32, #tpu.memory_space<hbm>>) target_semaphore(%arg23 : memref<!tpu.dma_semaphore, #tpu.memory_space<semaphore_mem>>)
    %dma_wait3A_315 = arith.constant 0 : i32
    %dma_wait3A_316 = arith.constant 7 : i32
    %dma_wait3A_317 = arith.constant 0 : i32
    %dma_wait3A_318 = arith.constant 0 : i32
    %dma_wait3A_319 = tpu.memref_slice %arg6[%dma_wait3A_316, %dma_wait3A_317, %dma_wait3A_318] : memref<10x64x64xf32, #tpu.memory_space<vmem>> -> memref<1x64x64xf32, #tpu.memory_space<vmem>>
    %dma_wait3A_320 = tpu.memref_squeeze %dma_wait3A_319 : memref<1x64x64xf32, #tpu.memory_space<vmem>> -> memref<64x64xf32, #tpu.memory_space<vmem>>
    %dma_wait3A_321 = arith.constant 0 : i32
    %dma_wait3A_322 = tpu.memref_slice %arg5[%dma_wait3A_315, %dma_wait3A_321] : memref<100x64xi32, #tpu.memory_space<vmem>> -> memref<1x64xi32, #tpu.memory_space<vmem>>
    %dma_wait3A_323 = tpu.memref_squeeze %dma_wait3A_322 : memref<1x64xi32, #tpu.memory_space<vmem>> -> memref<64xi32, #tpu.memory_space<vmem>>
    %dma_wait3A_324 = arith.constant 0 : i32
    %dma_wait3A_325 = arith.constant 0 : i32
    %dma_wait3A_326 = tpu.memref_slice %arg2[%dma_wait3A_324, %dma_wait3A_325] : memref<2000000x64xf32, #tpu.memory_space<hbm>> -> memref<2000000x64xf32, #tpu.memory_space<hbm>>
    tpu.wait_indirect_dma semaphore(%arg14 : memref<!tpu.dma_semaphore, #tpu.memory_space<semaphore_mem>>) src(%dma_wait3A_326 : memref<2000000x64xf32, #tpu.memory_space<hbm>>) dst(%dma_wait3A_320 : memref<64x64xf32, #tpu.memory_space<vmem>>)
    %add3A_327 = arith.constant 6208 : i32
    %add3A_328 = arith.addi %mul3A_2, %add3A_327 : i32
    %dma_start3A_329 = arith.constant 7 : i32
    %dma_start3A_330 = arith.constant 0 : i32
    %dma_start3A_331 = arith.constant 0 : i32
    %dma_start3A_332 = tpu.memref_slice %arg6[%dma_start3A_329, %dma_start3A_330, %dma_start3A_331] : memref<10x64x64xf32, #tpu.memory_space<vmem>> -> memref<1x64x64xf32, #tpu.memory_space<vmem>>
    %dma_start3A_333 = tpu.memref_squeeze %dma_start3A_332 : memref<1x64x64xf32, #tpu.memory_space<vmem>> -> memref<64x64xf32, #tpu.memory_space<vmem>>
    %dma_start3A_334 = arith.constant 0 : i32
    %dma_start3A_335 = tpu.memref_slice %arg4[%add3A_328, %dma_start3A_334] : memref<204800x64xf32, #tpu.memory_space<hbm>> -> memref<64x64xf32, #tpu.memory_space<hbm>>
    %dma_start3A_336 = arith.constant 0 : i32
    %dma_start3A_337 = tpu.memref_slice %arg4[%add3A_328, %dma_start3A_336] : memref<204800x64xf32, #tpu.memory_space<hbm>> -> memref<64x64xf32, #tpu.memory_space<hbm>>
    %dma_start3A_338 = arith.constant 0 : i32
    %dma_start3A_339 = arith.constant 0 : i32
    %dma_start3A_340 = tpu.memref_slice %arg6[%dma_start3A_329, %dma_start3A_338, %dma_start3A_339] : memref<10x64x64xf32, #tpu.memory_space<vmem>> -> memref<1x64x64xf32, #tpu.memory_space<vmem>>
    %dma_start3A_341 = tpu.memref_squeeze %dma_start3A_340 : memref<1x64x64xf32, #tpu.memory_space<vmem>> -> memref<64x64xf32, #tpu.memory_space<vmem>>
    tpu.enqueue_dma source(%dma_start3A_341 : memref<64x64xf32, #tpu.memory_space<vmem>>) target(%dma_start3A_337 : memref<64x64xf32, #tpu.memory_space<hbm>>) target_semaphore(%arg24 : memref<!tpu.dma_semaphore, #tpu.memory_space<semaphore_mem>>)
    %dma_wait3A_342 = arith.constant 0 : i32
    %dma_wait3A_343 = arith.constant 8 : i32
    %dma_wait3A_344 = arith.constant 0 : i32
    %dma_wait3A_345 = arith.constant 0 : i32
    %dma_wait3A_346 = tpu.memref_slice %arg6[%dma_wait3A_343, %dma_wait3A_344, %dma_wait3A_345] : memref<10x64x64xf32, #tpu.memory_space<vmem>> -> memref<1x64x64xf32, #tpu.memory_space<vmem>>
    %dma_wait3A_347 = tpu.memref_squeeze %dma_wait3A_346 : memref<1x64x64xf32, #tpu.memory_space<vmem>> -> memref<64x64xf32, #tpu.memory_space<vmem>>
    %dma_wait3A_348 = arith.constant 0 : i32
    %dma_wait3A_349 = tpu.memref_slice %arg5[%dma_wait3A_342, %dma_wait3A_348] : memref<100x64xi32, #tpu.memory_space<vmem>> -> memref<1x64xi32, #tpu.memory_space<vmem>>
    %dma_wait3A_350 = tpu.memref_squeeze %dma_wait3A_349 : memref<1x64xi32, #tpu.memory_space<vmem>> -> memref<64xi32, #tpu.memory_space<vmem>>
    %dma_wait3A_351 = arith.constant 0 : i32
    %dma_wait3A_352 = arith.constant 0 : i32
    %dma_wait3A_353 = tpu.memref_slice %arg2[%dma_wait3A_351, %dma_wait3A_352] : memref<2000000x64xf32, #tpu.memory_space<hbm>> -> memref<2000000x64xf32, #tpu.memory_space<hbm>>
    tpu.wait_indirect_dma semaphore(%arg15 : memref<!tpu.dma_semaphore, #tpu.memory_space<semaphore_mem>>) src(%dma_wait3A_353 : memref<2000000x64xf32, #tpu.memory_space<hbm>>) dst(%dma_wait3A_347 : memref<64x64xf32, #tpu.memory_space<vmem>>)
    %add3A_354 = arith.constant 6272 : i32
    %add3A_355 = arith.addi %mul3A_2, %add3A_354 : i32
    %dma_start3A_356 = arith.constant 8 : i32
    %dma_start3A_357 = arith.constant 0 : i32
    %dma_start3A_358 = arith.constant 0 : i32
    %dma_start3A_359 = tpu.memref_slice %arg6[%dma_start3A_356, %dma_start3A_357, %dma_start3A_358] : memref<10x64x64xf32, #tpu.memory_space<vmem>> -> memref<1x64x64xf32, #tpu.memory_space<vmem>>
    %dma_start3A_360 = tpu.memref_squeeze %dma_start3A_359 : memref<1x64x64xf32, #tpu.memory_space<vmem>> -> memref<64x64xf32, #tpu.memory_space<vmem>>
    %dma_start3A_361 = arith.constant 0 : i32
    %dma_start3A_362 = tpu.memref_slice %arg4[%add3A_355, %dma_start3A_361] : memref<204800x64xf32, #tpu.memory_space<hbm>> -> memref<64x64xf32, #tpu.memory_space<hbm>>
    %dma_start3A_363 = arith.constant 0 : i32
    %dma_start3A_364 = tpu.memref_slice %arg4[%add3A_355, %dma_start3A_363] : memref<204800x64xf32, #tpu.memory_space<hbm>> -> memref<64x64xf32, #tpu.memory_space<hbm>>
    %dma_start3A_365 = arith.constant 0 : i32
    %dma_start3A_366 = arith.constant 0 : i32
    %dma_start3A_367 = tpu.memref_slice %arg6[%dma_start3A_356, %dma_start3A_365, %dma_start3A_366] : memref<10x64x64xf32, #tpu.memory_space<vmem>> -> memref<1x64x64xf32, #tpu.memory_space<vmem>>
    %dma_start3A_368 = tpu.memref_squeeze %dma_start3A_367 : memref<1x64x64xf32, #tpu.memory_space<vmem>> -> memref<64x64xf32, #tpu.memory_space<vmem>>
    tpu.enqueue_dma source(%dma_start3A_368 : memref<64x64xf32, #tpu.memory_space<vmem>>) target(%dma_start3A_364 : memref<64x64xf32, #tpu.memory_space<hbm>>) target_semaphore(%arg25 : memref<!tpu.dma_semaphore, #tpu.memory_space<semaphore_mem>>)
    %dma_wait3A_369 = arith.constant 0 : i32
    %dma_wait3A_370 = arith.constant 9 : i32
    %dma_wait3A_371 = arith.constant 0 : i32
    %dma_wait3A_372 = arith.constant 0 : i32
    %dma_wait3A_373 = tpu.memref_slice %arg6[%dma_wait3A_370, %dma_wait3A_371, %dma_wait3A_372] : memref<10x64x64xf32, #tpu.memory_space<vmem>> -> memref<1x64x64xf32, #tpu.memory_space<vmem>>
    %dma_wait3A_374 = tpu.memref_squeeze %dma_wait3A_373 : memref<1x64x64xf32, #tpu.memory_space<vmem>> -> memref<64x64xf32, #tpu.memory_space<vmem>>
    %dma_wait3A_375 = arith.constant 0 : i32
    %dma_wait3A_376 = tpu.memref_slice %arg5[%dma_wait3A_369, %dma_wait3A_375] : memref<100x64xi32, #tpu.memory_space<vmem>> -> memref<1x64xi32, #tpu.memory_space<vmem>>
    %dma_wait3A_377 = tpu.memref_squeeze %dma_wait3A_376 : memref<1x64xi32, #tpu.memory_space<vmem>> -> memref<64xi32, #tpu.memory_space<vmem>>
    %dma_wait3A_378 = arith.constant 0 : i32
    %dma_wait3A_379 = arith.constant 0 : i32
    %dma_wait3A_380 = tpu.memref_slice %arg2[%dma_wait3A_378, %dma_wait3A_379] : memref<2000000x64xf32, #tpu.memory_space<hbm>> -> memref<2000000x64xf32, #tpu.memory_space<hbm>>
    tpu.wait_indirect_dma semaphore(%arg16 : memref<!tpu.dma_semaphore, #tpu.memory_space<semaphore_mem>>) src(%dma_wait3A_380 : memref<2000000x64xf32, #tpu.memory_space<hbm>>) dst(%dma_wait3A_374 : memref<64x64xf32, #tpu.memory_space<vmem>>)
    %add3A_381 = arith.constant 6336 : i32
    %add3A_382 = arith.addi %mul3A_2, %add3A_381 : i32
    %dma_start3A_383 = arith.constant 9 : i32
    %dma_start3A_384 = arith.constant 0 : i32
    %dma_start3A_385 = arith.constant 0 : i32
    %dma_start3A_386 = tpu.memref_slice %arg6[%dma_start3A_383, %dma_start3A_384, %dma_start3A_385] : memref<10x64x64xf32, #tpu.memory_space<vmem>> -> memref<1x64x64xf32, #tpu.memory_space<vmem>>
    %dma_start3A_387 = tpu.memref_squeeze %dma_start3A_386 : memref<1x64x64xf32, #tpu.memory_space<vmem>> -> memref<64x64xf32, #tpu.memory_space<vmem>>
    %dma_start3A_388 = arith.constant 0 : i32
    %dma_start3A_389 = tpu.memref_slice %arg4[%add3A_382, %dma_start3A_388] : memref<204800x64xf32, #tpu.memory_space<hbm>> -> memref<64x64xf32, #tpu.memory_space<hbm>>
    %dma_start3A_390 = arith.constant 0 : i32
    %dma_start3A_391 = tpu.memref_slice %arg4[%add3A_382, %dma_start3A_390] : memref<204800x64xf32, #tpu.memory_space<hbm>> -> memref<64x64xf32, #tpu.memory_space<hbm>>
    %dma_start3A_392 = arith.constant 0 : i32
    %dma_start3A_393 = arith.constant 0 : i32
    %dma_start3A_394 = tpu.memref_slice %arg6[%dma_start3A_383, %dma_start3A_392, %dma_start3A_393] : memref<10x64x64xf32, #tpu.memory_space<vmem>> -> memref<1x64x64xf32, #tpu.memory_space<vmem>>
    %dma_start3A_395 = tpu.memref_squeeze %dma_start3A_394 : memref<1x64x64xf32, #tpu.memory_space<vmem>> -> memref<64x64xf32, #tpu.memory_space<vmem>>
    tpu.enqueue_dma source(%dma_start3A_395 : memref<64x64xf32, #tpu.memory_space<vmem>>) target(%dma_start3A_391 : memref<64x64xf32, #tpu.memory_space<hbm>>) target_semaphore(%arg26 : memref<!tpu.dma_semaphore, #tpu.memory_space<semaphore_mem>>)
    %dma_wait3A_396 = arith.constant 0 : i32
    %dma_wait3A_397 = arith.constant 0 : i32
    %dma_wait3A_398 = arith.constant 0 : i32
    %dma_wait3A_399 = tpu.memref_slice %arg6[%dma_wait3A_396, %dma_wait3A_397, %dma_wait3A_398] : memref<10x64x64xf32, #tpu.memory_space<vmem>> -> memref<1x64x64xf32, #tpu.memory_space<vmem>>
    %dma_wait3A_400 = tpu.memref_squeeze %dma_wait3A_399 : memref<1x64x64xf32, #tpu.memory_space<vmem>> -> memref<64x64xf32, #tpu.memory_space<vmem>>
    %dma_wait3A_401 = arith.constant 0 : i32
    %dma_wait3A_402 = tpu.memref_slice %arg4[%mul3A_2, %dma_wait3A_401] : memref<204800x64xf32, #tpu.memory_space<hbm>> -> memref<64x64xf32, #tpu.memory_space<hbm>>
    %dma_wait3A_403 = arith.constant 0 : i32
    %dma_wait3A_404 = tpu.memref_slice %arg4[%mul3A_2, %dma_wait3A_403] : memref<204800x64xf32, #tpu.memory_space<hbm>> -> memref<64x64xf32, #tpu.memory_space<hbm>>
    %dma_wait3A_405 = arith.constant 0 : i32
    %dma_wait3A_406 = arith.constant 0 : i32
    %dma_wait3A_407 = tpu.memref_slice %arg6[%dma_wait3A_396, %dma_wait3A_405, %dma_wait3A_406] : memref<10x64x64xf32, #tpu.memory_space<vmem>> -> memref<1x64x64xf32, #tpu.memory_space<vmem>>
    %dma_wait3A_408 = tpu.memref_squeeze %dma_wait3A_407 : memref<1x64x64xf32, #tpu.memory_space<vmem>> -> memref<64x64xf32, #tpu.memory_space<vmem>>
    tpu.wait_dma2 semaphore(%arg17 : memref<!tpu.dma_semaphore, #tpu.memory_space<semaphore_mem>>) src(%dma_wait3A_408 : memref<64x64xf32, #tpu.memory_space<vmem>>) dst(%dma_wait3A_404 : memref<64x64xf32, #tpu.memory_space<hbm>>)
    %dma_wait3A_409 = arith.constant 1 : i32
    %dma_wait3A_410 = arith.constant 0 : i32
    %dma_wait3A_411 = arith.constant 0 : i32
    %dma_wait3A_412 = tpu.memref_slice %arg6[%dma_wait3A_409, %dma_wait3A_410, %dma_wait3A_411] : memref<10x64x64xf32, #tpu.memory_space<vmem>> -> memref<1x64x64xf32, #tpu.memory_space<vmem>>
    %dma_wait3A_413 = tpu.memref_squeeze %dma_wait3A_412 : memref<1x64x64xf32, #tpu.memory_space<vmem>> -> memref<64x64xf32, #tpu.memory_space<vmem>>
    %dma_wait3A_414 = arith.constant 0 : i32
    %dma_wait3A_415 = tpu.memref_slice %arg4[%mul3A_2, %dma_wait3A_414] : memref<204800x64xf32, #tpu.memory_space<hbm>> -> memref<64x64xf32, #tpu.memory_space<hbm>>
    %dma_wait3A_416 = arith.constant 0 : i32
    %dma_wait3A_417 = tpu.memref_slice %arg4[%mul3A_2, %dma_wait3A_416] : memref<204800x64xf32, #tpu.memory_space<hbm>> -> memref<64x64xf32, #tpu.memory_space<hbm>>
    %dma_wait3A_418 = arith.constant 0 : i32
    %dma_wait3A_419 = arith.constant 0 : i32
    %dma_wait3A_420 = tpu.memref_slice %arg6[%dma_wait3A_409, %dma_wait3A_418, %dma_wait3A_419] : memref<10x64x64xf32, #tpu.memory_space<vmem>> -> memref<1x64x64xf32, #tpu.memory_space<vmem>>
    %dma_wait3A_421 = tpu.memref_squeeze %dma_wait3A_420 : memref<1x64x64xf32, #tpu.memory_space<vmem>> -> memref<64x64xf32, #tpu.memory_space<vmem>>
    tpu.wait_dma2 semaphore(%arg18 : memref<!tpu.dma_semaphore, #tpu.memory_space<semaphore_mem>>) src(%dma_wait3A_421 : memref<64x64xf32, #tpu.memory_space<vmem>>) dst(%dma_wait3A_417 : memref<64x64xf32, #tpu.memory_space<hbm>>)
    %dma_wait3A_422 = arith.constant 2 : i32
    %dma_wait3A_423 = arith.constant 0 : i32
    %dma_wait3A_424 = arith.constant 0 : i32
    %dma_wait3A_425 = tpu.memref_slice %arg6[%dma_wait3A_422, %dma_wait3A_423, %dma_wait3A_424] : memref<10x64x64xf32, #tpu.memory_space<vmem>> -> memref<1x64x64xf32, #tpu.memory_space<vmem>>
    %dma_wait3A_426 = tpu.memref_squeeze %dma_wait3A_425 : memref<1x64x64xf32, #tpu.memory_space<vmem>> -> memref<64x64xf32, #tpu.memory_space<vmem>>
    %dma_wait3A_427 = arith.constant 0 : i32
    %dma_wait3A_428 = tpu.memref_slice %arg4[%mul3A_2, %dma_wait3A_427] : memref<204800x64xf32, #tpu.memory_space<hbm>> -> memref<64x64xf32, #tpu.memory_space<hbm>>
    %dma_wait3A_429 = arith.constant 0 : i32
    %dma_wait3A_430 = tpu.memref_slice %arg4[%mul3A_2, %dma_wait3A_429] : memref<204800x64xf32, #tpu.memory_space<hbm>> -> memref<64x64xf32, #tpu.memory_space<hbm>>
    %dma_wait3A_431 = arith.constant 0 : i32
    %dma_wait3A_432 = arith.constant 0 : i32
    %dma_wait3A_433 = tpu.memref_slice %arg6[%dma_wait3A_422, %dma_wait3A_431, %dma_wait3A_432] : memref<10x64x64xf32, #tpu.memory_space<vmem>> -> memref<1x64x64xf32, #tpu.memory_space<vmem>>
    %dma_wait3A_434 = tpu.memref_squeeze %dma_wait3A_433 : memref<1x64x64xf32, #tpu.memory_space<vmem>> -> memref<64x64xf32, #tpu.memory_space<vmem>>
    tpu.wait_dma2 semaphore(%arg19 : memref<!tpu.dma_semaphore, #tpu.memory_space<semaphore_mem>>) src(%dma_wait3A_434 : memref<64x64xf32, #tpu.memory_space<vmem>>) dst(%dma_wait3A_430 : memref<64x64xf32, #tpu.memory_space<hbm>>)
    %dma_wait3A_435 = arith.constant 3 : i32
    %dma_wait3A_436 = arith.constant 0 : i32
    %dma_wait3A_437 = arith.constant 0 : i32
    %dma_wait3A_438 = tpu.memref_slice %arg6[%dma_wait3A_435, %dma_wait3A_436, %dma_wait3A_437] : memref<10x64x64xf32, #tpu.memory_space<vmem>> -> memref<1x64x64xf32, #tpu.memory_space<vmem>>
    %dma_wait3A_439 = tpu.memref_squeeze %dma_wait3A_438 : memref<1x64x64xf32, #tpu.memory_space<vmem>> -> memref<64x64xf32, #tpu.memory_space<vmem>>
    %dma_wait3A_440 = arith.constant 0 : i32
    %dma_wait3A_441 = tpu.memref_slice %arg4[%mul3A_2, %dma_wait3A_440] : memref<204800x64xf32, #tpu.memory_space<hbm>> -> memref<64x64xf32, #tpu.memory_space<hbm>>
    %dma_wait3A_442 = arith.constant 0 : i32
    %dma_wait3A_443 = tpu.memref_slice %arg4[%mul3A_2, %dma_wait3A_442] : memref<204800x64xf32, #tpu.memory_space<hbm>> -> memref<64x64xf32, #tpu.memory_space<hbm>>
    %dma_wait3A_444 = arith.constant 0 : i32
    %dma_wait3A_445 = arith.constant 0 : i32
    %dma_wait3A_446 = tpu.memref_slice %arg6[%dma_wait3A_435, %dma_wait3A_444, %dma_wait3A_445] : memref<10x64x64xf32, #tpu.memory_space<vmem>> -> memref<1x64x64xf32, #tpu.memory_space<vmem>>
    %dma_wait3A_447 = tpu.memref_squeeze %dma_wait3A_446 : memref<1x64x64xf32, #tpu.memory_space<vmem>> -> memref<64x64xf32, #tpu.memory_space<vmem>>
    tpu.wait_dma2 semaphore(%arg20 : memref<!tpu.dma_semaphore, #tpu.memory_space<semaphore_mem>>) src(%dma_wait3A_447 : memref<64x64xf32, #tpu.memory_space<vmem>>) dst(%dma_wait3A_443 : memref<64x64xf32, #tpu.memory_space<hbm>>)
    %dma_wait3A_448 = arith.constant 4 : i32
    %dma_wait3A_449 = arith.constant 0 : i32
    %dma_wait3A_450 = arith.constant 0 : i32
    %dma_wait3A_451 = tpu.memref_slice %arg6[%dma_wait3A_448, %dma_wait3A_449, %dma_wait3A_450] : memref<10x64x64xf32, #tpu.memory_space<vmem>> -> memref<1x64x64xf32, #tpu.memory_space<vmem>>
    %dma_wait3A_452 = tpu.memref_squeeze %dma_wait3A_451 : memref<1x64x64xf32, #tpu.memory_space<vmem>> -> memref<64x64xf32, #tpu.memory_space<vmem>>
    %dma_wait3A_453 = arith.constant 0 : i32
    %dma_wait3A_454 = tpu.memref_slice %arg4[%mul3A_2, %dma_wait3A_453] : memref<204800x64xf32, #tpu.memory_space<hbm>> -> memref<64x64xf32, #tpu.memory_space<hbm>>
    %dma_wait3A_455 = arith.constant 0 : i32
    %dma_wait3A_456 = tpu.memref_slice %arg4[%mul3A_2, %dma_wait3A_455] : memref<204800x64xf32, #tpu.memory_space<hbm>> -> memref<64x64xf32, #tpu.memory_space<hbm>>
    %dma_wait3A_457 = arith.constant 0 : i32
    %dma_wait3A_458 = arith.constant 0 : i32
    %dma_wait3A_459 = tpu.memref_slice %arg6[%dma_wait3A_448, %dma_wait3A_457, %dma_wait3A_458] : memref<10x64x64xf32, #tpu.memory_space<vmem>> -> memref<1x64x64xf32, #tpu.memory_space<vmem>>
    %dma_wait3A_460 = tpu.memref_squeeze %dma_wait3A_459 : memref<1x64x64xf32, #tpu.memory_space<vmem>> -> memref<64x64xf32, #tpu.memory_space<vmem>>
    tpu.wait_dma2 semaphore(%arg21 : memref<!tpu.dma_semaphore, #tpu.memory_space<semaphore_mem>>) src(%dma_wait3A_460 : memref<64x64xf32, #tpu.memory_space<vmem>>) dst(%dma_wait3A_456 : memref<64x64xf32, #tpu.memory_space<hbm>>)
    %dma_wait3A_461 = arith.constant 5 : i32
    %dma_wait3A_462 = arith.constant 0 : i32
    %dma_wait3A_463 = arith.constant 0 : i32
    %dma_wait3A_464 = tpu.memref_slice %arg6[%dma_wait3A_461, %dma_wait3A_462, %dma_wait3A_463] : memref<10x64x64xf32, #tpu.memory_space<vmem>> -> memref<1x64x64xf32, #tpu.memory_space<vmem>>
    %dma_wait3A_465 = tpu.memref_squeeze %dma_wait3A_464 : memref<1x64x64xf32, #tpu.memory_space<vmem>> -> memref<64x64xf32, #tpu.memory_space<vmem>>
    %dma_wait3A_466 = arith.constant 0 : i32
    %dma_wait3A_467 = tpu.memref_slice %arg4[%mul3A_2, %dma_wait3A_466] : memref<204800x64xf32, #tpu.memory_space<hbm>> -> memref<64x64xf32, #tpu.memory_space<hbm>>
    %dma_wait3A_468 = arith.constant 0 : i32
    %dma_wait3A_469 = tpu.memref_slice %arg4[%mul3A_2, %dma_wait3A_468] : memref<204800x64xf32, #tpu.memory_space<hbm>> -> memref<64x64xf32, #tpu.memory_space<hbm>>
    %dma_wait3A_470 = arith.constant 0 : i32
    %dma_wait3A_471 = arith.constant 0 : i32
    %dma_wait3A_472 = tpu.memref_slice %arg6[%dma_wait3A_461, %dma_wait3A_470, %dma_wait3A_471] : memref<10x64x64xf32, #tpu.memory_space<vmem>> -> memref<1x64x64xf32, #tpu.memory_space<vmem>>
    %dma_wait3A_473 = tpu.memref_squeeze %dma_wait3A_472 : memref<1x64x64xf32, #tpu.memory_space<vmem>> -> memref<64x64xf32, #tpu.memory_space<vmem>>
    tpu.wait_dma2 semaphore(%arg22 : memref<!tpu.dma_semaphore, #tpu.memory_space<semaphore_mem>>) src(%dma_wait3A_473 : memref<64x64xf32, #tpu.memory_space<vmem>>) dst(%dma_wait3A_469 : memref<64x64xf32, #tpu.memory_space<hbm>>)
    %dma_wait3A_474 = arith.constant 6 : i32
    %dma_wait3A_475 = arith.constant 0 : i32
    %dma_wait3A_476 = arith.constant 0 : i32
    %dma_wait3A_477 = tpu.memref_slice %arg6[%dma_wait3A_474, %dma_wait3A_475, %dma_wait3A_476] : memref<10x64x64xf32, #tpu.memory_space<vmem>> -> memref<1x64x64xf32, #tpu.memory_space<vmem>>
    %dma_wait3A_478 = tpu.memref_squeeze %dma_wait3A_477 : memref<1x64x64xf32, #tpu.memory_space<vmem>> -> memref<64x64xf32, #tpu.memory_space<vmem>>
    %dma_wait3A_479 = arith.constant 0 : i32
    %dma_wait3A_480 = tpu.memref_slice %arg4[%mul3A_2, %dma_wait3A_479] : memref<204800x64xf32, #tpu.memory_space<hbm>> -> memref<64x64xf32, #tpu.memory_space<hbm>>
    %dma_wait3A_481 = arith.constant 0 : i32
    %dma_wait3A_482 = tpu.memref_slice %arg4[%mul3A_2, %dma_wait3A_481] : memref<204800x64xf32, #tpu.memory_space<hbm>> -> memref<64x64xf32, #tpu.memory_space<hbm>>
    %dma_wait3A_483 = arith.constant 0 : i32
    %dma_wait3A_484 = arith.constant 0 : i32
    %dma_wait3A_485 = tpu.memref_slice %arg6[%dma_wait3A_474, %dma_wait3A_483, %dma_wait3A_484] : memref<10x64x64xf32, #tpu.memory_space<vmem>> -> memref<1x64x64xf32, #tpu.memory_space<vmem>>
    %dma_wait3A_486 = tpu.memref_squeeze %dma_wait3A_485 : memref<1x64x64xf32, #tpu.memory_space<vmem>> -> memref<64x64xf32, #tpu.memory_space<vmem>>
    tpu.wait_dma2 semaphore(%arg23 : memref<!tpu.dma_semaphore, #tpu.memory_space<semaphore_mem>>) src(%dma_wait3A_486 : memref<64x64xf32, #tpu.memory_space<vmem>>) dst(%dma_wait3A_482 : memref<64x64xf32, #tpu.memory_space<hbm>>)
    %dma_wait3A_487 = arith.constant 7 : i32
    %dma_wait3A_488 = arith.constant 0 : i32
    %dma_wait3A_489 = arith.constant 0 : i32
    %dma_wait3A_490 = tpu.memref_slice %arg6[%dma_wait3A_487, %dma_wait3A_488, %dma_wait3A_489] : memref<10x64x64xf32, #tpu.memory_space<vmem>> -> memref<1x64x64xf32, #tpu.memory_space<vmem>>
    %dma_wait3A_491 = tpu.memref_squeeze %dma_wait3A_490 : memref<1x64x64xf32, #tpu.memory_space<vmem>> -> memref<64x64xf32, #tpu.memory_space<vmem>>
    %dma_wait3A_492 = arith.constant 0 : i32
    %dma_wait3A_493 = tpu.memref_slice %arg4[%mul3A_2, %dma_wait3A_492] : memref<204800x64xf32, #tpu.memory_space<hbm>> -> memref<64x64xf32, #tpu.memory_space<hbm>>
    %dma_wait3A_494 = arith.constant 0 : i32
    %dma_wait3A_495 = tpu.memref_slice %arg4[%mul3A_2, %dma_wait3A_494] : memref<204800x64xf32, #tpu.memory_space<hbm>> -> memref<64x64xf32, #tpu.memory_space<hbm>>
    %dma_wait3A_496 = arith.constant 0 : i32
    %dma_wait3A_497 = arith.constant 0 : i32
    %dma_wait3A_498 = tpu.memref_slice %arg6[%dma_wait3A_487, %dma_wait3A_496, %dma_wait3A_497] : memref<10x64x64xf32, #tpu.memory_space<vmem>> -> memref<1x64x64xf32, #tpu.memory_space<vmem>>
    %dma_wait3A_499 = tpu.memref_squeeze %dma_wait3A_498 : memref<1x64x64xf32, #tpu.memory_space<vmem>> -> memref<64x64xf32, #tpu.memory_space<vmem>>
    tpu.wait_dma2 semaphore(%arg24 : memref<!tpu.dma_semaphore, #tpu.memory_space<semaphore_mem>>) src(%dma_wait3A_499 : memref<64x64xf32, #tpu.memory_space<vmem>>) dst(%dma_wait3A_495 : memref<64x64xf32, #tpu.memory_space<hbm>>)
    %dma_wait3A_500 = arith.constant 8 : i32
    %dma_wait3A_501 = arith.constant 0 : i32
    %dma_wait3A_502 = arith.constant 0 : i32
    %dma_wait3A_503 = tpu.memref_slice %arg6[%dma_wait3A_500, %dma_wait3A_501, %dma_wait3A_502] : memref<10x64x64xf32, #tpu.memory_space<vmem>> -> memref<1x64x64xf32, #tpu.memory_space<vmem>>
    %dma_wait3A_504 = tpu.memref_squeeze %dma_wait3A_503 : memref<1x64x64xf32, #tpu.memory_space<vmem>> -> memref<64x64xf32, #tpu.memory_space<vmem>>
    %dma_wait3A_505 = arith.constant 0 : i32
    %dma_wait3A_506 = tpu.memref_slice %arg4[%mul3A_2, %dma_wait3A_505] : memref<204800x64xf32, #tpu.memory_space<hbm>> -> memref<64x64xf32, #tpu.memory_space<hbm>>
    %dma_wait3A_507 = arith.constant 0 : i32
    %dma_wait3A_508 = tpu.memref_slice %arg4[%mul3A_2, %dma_wait3A_507] : memref<204800x64xf32, #tpu.memory_space<hbm>> -> memref<64x64xf32, #tpu.memory_space<hbm>>
    %dma_wait3A_509 = arith.constant 0 : i32
    %dma_wait3A_510 = arith.constant 0 : i32
    %dma_wait3A_511 = tpu.memref_slice %arg6[%dma_wait3A_500, %dma_wait3A_509, %dma_wait3A_510] : memref<10x64x64xf32, #tpu.memory_space<vmem>> -> memref<1x64x64xf32, #tpu.memory_space<vmem>>
    %dma_wait3A_512 = tpu.memref_squeeze %dma_wait3A_511 : memref<1x64x64xf32, #tpu.memory_space<vmem>> -> memref<64x64xf32, #tpu.memory_space<vmem>>
    tpu.wait_dma2 semaphore(%arg25 : memref<!tpu.dma_semaphore, #tpu.memory_space<semaphore_mem>>) src(%dma_wait3A_512 : memref<64x64xf32, #tpu.memory_space<vmem>>) dst(%dma_wait3A_508 : memref<64x64xf32, #tpu.memory_space<hbm>>)
    %dma_wait3A_513 = arith.constant 9 : i32
    %dma_wait3A_514 = arith.constant 0 : i32
    %dma_wait3A_515 = arith.constant 0 : i32
    %dma_wait3A_516 = tpu.memref_slice %arg6[%dma_wait3A_513, %dma_wait3A_514, %dma_wait3A_515] : memref<10x64x64xf32, #tpu.memory_space<vmem>> -> memref<1x64x64xf32, #tpu.memory_space<vmem>>
    %dma_wait3A_517 = tpu.memref_squeeze %dma_wait3A_516 : memref<1x64x64xf32, #tpu.memory_space<vmem>> -> memref<64x64xf32, #tpu.memory_space<vmem>>
    %dma_wait3A_518 = arith.constant 0 : i32
    %dma_wait3A_519 = tpu.memref_slice %arg4[%mul3A_2, %dma_wait3A_518] : memref<204800x64xf32, #tpu.memory_space<hbm>> -> memref<64x64xf32, #tpu.memory_space<hbm>>
    %dma_wait3A_520 = arith.constant 0 : i32
    %dma_wait3A_521 = tpu.memref_slice %arg4[%mul3A_2, %dma_wait3A_520] : memref<204800x64xf32, #tpu.memory_space<hbm>> -> memref<64x64xf32, #tpu.memory_space<hbm>>
    %dma_wait3A_522 = arith.constant 0 : i32
    %dma_wait3A_523 = arith.constant 0 : i32
    %dma_wait3A_524 = tpu.memref_slice %arg6[%dma_wait3A_513, %dma_wait3A_522, %dma_wait3A_523] : memref<10x64x64xf32, #tpu.memory_space<vmem>> -> memref<1x64x64xf32, #tpu.memory_space<vmem>>
    %dma_wait3A_525 = tpu.memref_squeeze %dma_wait3A_524 : memref<1x64x64xf32, #tpu.memory_space<vmem>> -> memref<64x64xf32, #tpu.memory_space<vmem>>
    tpu.wait_dma2 semaphore(%arg26 : memref<!tpu.dma_semaphore, #tpu.memory_space<semaphore_mem>>) src(%dma_wait3A_525 : memref<64x64xf32, #tpu.memory_space<vmem>>) dst(%dma_wait3A_521 : memref<64x64xf32, #tpu.memory_space<hbm>>)
    return
  }
}

</mosaic_0001>

<sc_bundles>
// kernel: kernel.3.cloned.1.call-start
scs
__scs_entry_jumppad:
0x0: {  	(pc) =	sbr.rel $0x88, $3  }
0x1: {  	(tag) =	ssettag $0x0;
	lr =	simm.s32 $0x1  }
0x2: {  	[smem:$0x3F9F] =	sst lr;
	_ =	strace $0xD0000000  }
0x3: {  	_ = 	snop  }
0x4: {  	_ = 	snop  }
0x5: {  	_ = 	snop  }
0x6: {  	_ = 	snop  }
0x7: {  	_ = 	snop  }
__scs_overlays_trampoline_lowered:
0x8: {  	[smem:$0x3FAE] =	sst s0  }
0x9: {  	[smem:$0x3FAF] =	sst s1  }
0xa: {  	[smem:$0x3FB0] =	sst s2  }
0xb: {  	[smem:$0x3FB1] =	sst s3  }
0xc: {  	[smem:$0x3FB2] =	sst s4  }
0xd: {  	[smem:$0x3FB3] =	sst s5  }
0xe: {  	[smem:$0x3FB4] =	sst s6  }
0xf: {  	[smem:$0x3FB5] =	sst s7  }
0x10: {  	[smem:$0x3FB6] =	sst s8  }
0x11: {  	[smem:$0x3FB7] =	sst s9;
	s0 =	simm.s32 @!p0 $0x0  }
0x12: {  	s1 =	sld [smem:$0x3F9D];
	s0 =	simm.s32 @p0 $0x1  }
0x13: {  	[smem:$0x3FB8] =	sst s0;
	s0 =	simm.s32 @!p1 $0x0  }
0x14: {  	s2 =	sld [smem:$0x3F9C];
	s0 =	simm.s32 @p1 $0x1  }
0x15: {  	[smem:$0x3FB9] =	sst s0;
	s0 =	simm.s32 @!p2 $0x0  }
0x16: {  	s3 =	sld [smem:$0x3FDB];
	s0 =	simm.s32 @p2 $0x1  }
0x17: {  	s4 =	simm.s32 $0x1BF5;
	[smem:$0x3FBB] =	sst s0  }
0x18: {  	s0 =	sld [smem:$0x3F9E];
	_ =	swait.ge [sflag:s4], $0x0  }
0x19: {  	s7 =	sld [smem:$0x3F9F]  }
0x1a: {  	s8 =	sadd.s32 $0xFFFFE003, lr  }
0x1b: {  	s9 =	sadd.s32 $0xFFFFFEF7, lr;
	s5 =	simm.s32 $0xFFFFFFFF;
	p2 =	slt.u32 s8, $0xFFFFF086  }
0x1c: {  	p1 =	slt.u32 s9, $0xF7A;
	s5 =	simm.s32 @!p2 $0x0  }
0x1d: {  	s5 =	simm.s32 @p1 $0x1;
	p0 =	seq.s32 s7, s2  }
0x1e: {  	s7 =	smul.u32 @!p0 $0xF7A, s2;
	p2 =	seq.s32 @!p0 s5, $0x0  }
0x1f: {  	s9 =	smul.u32 $0xF7A, s1;
	s8 =	simm.s32 @!p0 $0x1BF5;
	p2 =	por !p2, p0  }
0x20: {  	[sflag:s8] =	ssyncset.s32 @!p0 $0xFFFFF086;
	s6 =	sadd.s32 @!p0 s3, s7;
	s7 =	simm.s32 @!p0 $0x108  }
0x21: {  	s3 =	sadd.s32 s3, s9;
	s6 =	sadd.s32 @!p0 $0x88, s6;
	s7 =	simm.s32 @p2 $0x1082  }
0x22: {  	[simem:s7], [sflag:s8] =	dma.local @!p0 [hbm:s6], $0xF7A  }
0x23: {  	s9 =	sor.u32 $0xD0000000, s2;
	s6 =	simm.s32 $0x108;
	_ =	swait.ge @!p0 [sflag:s8], $0x0  }
0x24: {  	s3 =	sadd.s32 $0x88, s3;
	s6 =	simm.s32 @!p1 $0x1082;
	[sflag:s4] =	ssyncset.s32 $0xFFFFF086  }
0x25: {  	[simem:s6], [sflag:s4] =	dma.local [hbm:s3], $0xF7A  }
0x26: {  	[smem:$0x3F9F] =	sst s1;
	(tag) =	ssettag s2;
	_ =	strace s9  }
0x27: {  	s1 =	sld [smem:$0x3FAF]  }
0x28: {  	s2 =	sld [smem:$0x3FB0]  }
0x29: {  	s4 =	sld [smem:$0x3FB2]  }
0x2a: {  	p0 =	seq.s32 s5, $0x0;
	s5 =	sld [smem:$0x3FB3]  }
0x2b: {  	s6 =	sld [smem:$0x3FB4]  }
0x2c: {  	s7 =	sld [smem:$0x3FB5]  }
0x2d: {  	s3 =	simm.s32 $0x108;
	s8 =	sld [smem:$0x3FB6]  }
0x2e: {  	s3 =	simm.s32 @!p0 $0x1082;
	s9 =	sld [smem:$0x3FB7]  }
0x2f: {  	lr =	sadd.s32 s0, s3;
	s0 =	sld [smem:$0x3FAE]  }
0x30: {  	s3 =	sld [smem:$0x3FB1]  }
0x31: {  	[smem:$0x3FBA] =	sst s10  }
0x32: {  	s10 =	sld [smem:$0x3FB8];
	_ =	sdelay $0x3  }
0x33: {  	p0 =	seq.s32 s10, $0x1;
	s10 =	sld [smem:$0x3FBA];
	_ =	sdelay $0x3  }
0x34: {  	[smem:$0x3FBA] =	sst s10  }
0x35: {  	s10 =	sld [smem:$0x3FB9];
	_ =	sdelay $0x3  }
0x36: {  	p1 =	seq.s32 s10, $0x1;
	s10 =	sld [smem:$0x3FBA];
	_ =	sdelay $0x3  }
0x37: {  	[smem:$0x3FBA] =	sst s10  }
0x38: {  	s10 =	sld [smem:$0x3FBB]  }
0x39: {  	_ = 	snop;
	(pc) =	sbr.ind lr, $3  }
0x3a: {  	_ = 	snop  }
0x3b: {  	_ = 	snop  }
0x3c: {  	p2 =	seq.s32 s10, $0x1;
	s10 =	sld [smem:$0x3FBA]  }
0x3d: {  	_ =	shalt  }
0x3e: {  	_ =	shalt  }
0x3f: {  	_ =	shalt  }
0x40: {  	_ =	shalt  }
0x41: {  	_ =	shalt  }
0x42: {  	_ =	shalt  }
0x43: {  	_ =	shalt  }
0x44: {  	_ =	shalt  }
0x45: {  	_ =	shalt  }
0x46: {  	_ =	shalt  }
0x47: {  	_ =	shalt  }
0x48: {  	_ =	shalt  }
0x49: {  	_ =	shalt  }
0x4a: {  	_ =	shalt  }
0x4b: {  	_ =	shalt  }
0x4c: {  	_ =	shalt  }
0x4d: {  	_ =	shalt  }
0x4e: {  	_ =	shalt  }
0x4f: {  	_ =	shalt  }
0x50: {  	_ =	shalt  }
0x51: {  	_ =	shalt  }
0x52: {  	_ =	shalt  }
0x53: {  	_ =	shalt  }
0x54: {  	_ =	shalt  }
0x55: {  	_ =	shalt  }
0x56: {  	_ =	shalt  }
0x57: {  	_ =	shalt  }
0x58: {  	_ =	shalt  }
0x59: {  	_ =	shalt  }
0x5a: {  	_ =	shalt  }
0x5b: {  	_ =	shalt  }
0x5c: {  	_ =	shalt  }
0x5d: {  	_ =	shalt  }
0x5e: {  	_ =	shalt  }
0x5f: {  	_ =	shalt  }
0x60: {  	_ =	shalt  }
0x61: {  	_ =	shalt  }
0x62: {  	_ =	shalt  }
0x63: {  	_ =	shalt  }
0x64: {  	_ =	shalt  }
0x65: {  	_ =	shalt  }
0x66: {  	_ =	shalt  }
0x67: {  	_ =	shalt  }
0x68: {  	_ =	shalt  }
0x69: {  	_ =	shalt  }
0x6a: {  	_ =	shalt  }
0x6b: {  	_ =	shalt  }
0x6c: {  	_ =	shalt  }
0x6d: {  	_ =	shalt  }
0x6e: {  	_ =	shalt  }
0x6f: {  	_ =	shalt  }
0x70: {  	_ =	shalt  }
0x71: {  	_ =	shalt  }
0x72: {  	_ =	shalt  }
0x73: {  	_ =	shalt  }
0x74: {  	_ =	shalt  }
0x75: {  	_ =	shalt  }
0x76: {  	_ =	shalt  }
0x77: {  	_ =	shalt  }
0x78: {  	_ =	shalt  }
0x79: {  	_ =	shalt  }
0x7a: {  	_ =	shalt  }
0x7b: {  	_ =	shalt  }
0x7c: {  	_ =	shalt  }
0x7d: {  	_ =	shalt  }
0x7e: {  	_ =	shalt  }
0x7f: {  	_ =	shalt  }
0x80: {  	_ =	shalt  }
0x81: {  	_ =	shalt  }
0x82: {  	_ =	shalt  }
0x83: {  	_ =	shalt  }
0x84: {  	_ =	shalt  }
0x85: {  	_ =	shalt  }
0x86: {  	_ =	shalt  }
0x87: {  	_ =	shalt  }
.Lfunc_end0:
.L_simem_size_0:
called_computation.2_lowered:
.L_overlay_start_0:
0x88: {  	s2 =	sld [smem:$0x3FD9]  }
0x89: {  	s3 =	sld [smem:$0x3FFE];
	_ =	sdelay $0x1  }
0x8a: {  	s1 =	srdreg.scid  }
0x8b: {  	s0 =	sand.u32 $0x1, s1  }
0x8c: {  	s17 =	sshll.u32 s0, $0xA;
	s2 =	sadd.s32 s3, s2  }
0x8d: {  	s2 =	sadd.s32 s2, s17  }
0x8e: {  	[smem:$0x3FC6] =	sst s2  }
0x8f: {  	_ = 	snop  }
0x90: {  	s2 =	sld [smem:$0x3FD0];
	(tm) =	ssettm $0x1  }
0x91: {  	s18 =	sld [smem:$0x3FFB];
	_ =	sdelay $0x3  }
0x92: {  	_ =	strace s18  }
0x93: {  	s3 =	sld [smem:$0x3FFC];
	_ =	sdelay $0x3  }
0x94: {  	_ =	strace s3  }
0x95: {  	s3 =	sld [smem:$0x3FFD];
	_ =	sdelay $0x3  }
0x96: {  	_ =	strace s3  }
0x97: {  	_ =	strace $0x8FFFFFFF  }
0x98: {  	s19 =	sld [smem:$0x3FDB];
	_ =	sdelay $0x1  }
0x99: {  	s4 =	simm.s32 $_scs_section_size  }
0x9a: {  	s5 =	simm.s32 $_size__tile_overlayer_lowered;
	s6 =	simm.s32 $_tile_overlayer_lowered  }
0x9b: {  	s22 =	simm.s32 $0x1BFF;
	s21 =	sshll.u32 s6, $0x1;
	s3 =	sadd.s32 s4, s19  }
0x9c: {  	s7 =	simm.s32 $0x0;
	s20 =	sshll.u32 s5, $0x1;
	s5 =	sadd.s32 s21, s3  }
0x9d: {  	[timem:s7], [sflag:s22] =	dma.local [hbm:s5], s20  }
0x9e: {  	_ =	swait.ge [sflag:s22], s20  }
0x9f: {  	s4 =	ssub.s32 $0x0, s20;
	[sflag:s22] =	ssyncset.done $0x0  }
0xa0: {  	[sflag:s22] =	ssyncadd.s32 s4;
	_ =	sdelay $0x1  }
0xa1: {  	s23 =	simm.s32 $0x1B8B  }
0xa2: {  	_ =	swait.ge [sflag:s23], $0x1  }
0xa3: {  	[sflag:s23] =	ssyncset.done $0x0  }
0xa4: {  	s25 =	simm.s32 $0x1B8E;
	s24 =	sld [smem:$0x3FFE];
	[sflag:s23] =	ssyncadd.s32 $0xFFFFFFFF  }
0xa5: {  	s26 =	simm.s32 $execute0_lowered;
	[smem:$0x3FD2] =	sst s25  }
0xa6: {  	s5 =	sshll.u32 s26, $0x1;
	_ =	strace $0x80000049;
	[dreg:$0x1] =	wrdreg $0xFFFFFFFF  }
0xa7: {  	s28 =	simm.s32 $_size_execute0_lowered;
	s3 =	sadd.s32 s3, s5;
	[dreg:$0x0] =	wrdreg $0x0  }
0xa8: {  	s5 =	sshll.u32 s28, $0x1;
	[dreg:$0x2] =	wrdreg s3  }
0xa9: {  	[dreg:$0x3] =	wrdreg s5  }
0xaa: {  	[dreg:$0x4] =	wrdreg $0xC0  }
0xab: {  	_ =	task [dreg:s7], $0x5FFFF  }
0xac: {  	[dreg:$0x1] =	wrdreg $0xFFFFFFFF  }
0xad: {  	[dreg:$0x0] =	wrdreg $0x60  }
0xae: {  	[dreg:$0x2] =	wrdreg s24  }
0xaf: {  	[dreg:$0x3] =	wrdreg s2  }
0xb0: {  	[dreg:$0x4] =	wrdreg $0x9  }
0xb1: {  	_ =	task.clear_ibuf [dreg:s7], $0x5FFFF;
	_ =	strace $0x90000049  }
0xb2: {  	s29 =	simm.s32 $0x9;
	_ =	strace $0x8000004B  }
0xb3: {  	_ =	swait.ge [sflag:s29], $0x1  }
0xb4: {  	[sflag:s29] =	ssyncadd.s32 $0xFFFFFFFF  }
0xb5: {  	_ =	strace $0x9000004B  }
0xb6: {  	_ =	sfence  }
0xb7: {  	s30 =	sld [smem:$0x0];
	_ =	sdelay $0x2  }
0xb8: {  	s31 =	sshll.u32 s1, $0xD;
	s1 =	sshrl.u32 s1, $0x2  }
0xb9: {  	s3 =	sand.u32 $0x4000, s31;
	s1 =	sadd.s32 s1, s30  }
0xba: {  	s0 =	sor.u32 s3, s0;
	s1 =	sshll.u32 s1, $0x11  }
0xbb: {  	s0 =	sor.u32 s1, s0  }
0xbc: {  	s0 =	sadd.s32 $0x8F2B, s0  }
0xbd: {  	[sflag:s0] =	ssyncadd.remote.s32 $0x1  }
0xbe: {  	_ =	sfence.sel $0xFFFF  }
0xbf: {  	[dreg:$0x0] =	wrdreg $0xFFFFFFFF;
	(pc) =	sbr.abs _section_cstart, $3  }
0xc0: {  	[dreg:$0x1] =	wrdreg $0xFFFFFFFF  }
0xc1: {  	_ =	task.clear_ibuf [dreg:s7], $0x2FFFF;
	_ =	strace $0x9FFFFFFF  }
0xc2: {  	(tm) =	ssettm $0x7FFFFFFF  }
0xc3: {  	_ =	shalt  }
tec
execute0_lowered:
.L_overlay_start_1:
0x0: {  	(tag) =	ssettag $0x1  }
0x1: {  	s0 =	rddreg [dreg:$0x0];
	s1 =	srdreg.scid  }
0x2: {  	s10 =	stileid.u32;
	s11 =	rddreg [dreg:$0x1]  }
0x3: {  	s3 =	simm.s32 $0x0;
	s1 =	sand.u32 $0x1, s1;
	s2 =	sshll.u32 s10, $0x1  }
0x4: {  	[smem:$0x7FF] =	sst s3;
	s7 =	smul.u32 $0x3200, s10;
	s2 =	sor.u32 s1, s2  }
0x5: {  	s4 =	sadd.s32 $0xF49600, s0;
	s6 =	ssub.s32 $0x2, s1;
	s5 =	smul.u32 $0x1900, s2  }
0x6: {  	_ =	strace $0x8000004A;
	s2 =	smul.u32 $0x64000, s2;
	s8 =	sshrl.u32 s6, $0x1  }
0x7: {  	s9 =	smul.u32 $0x1900, s1;
	s30 =	ssub.s32 s6, s8;
	s5 =	sshrl.u32 s5, $0x3  }
0x8: {  	s2 =	sshrl.u32 s2, $0x3;
	s30 =	smax.u32 s30, $0x1;
	s0 =	sadd.s32 s5, s0  }
0x9: {  	s31 =	sadd.s32 s11, s2;
	[dreg:$0x18] =	wrdreg s30;
	s0 =	sadd.s32 $0xF43200, s0  }
0xa: {  	s8 =	sadd.s32 s9, s7;
	s9 =	sadd.s32 $0xB400, s31;
	[dreg:$0xd] =	wrdreg s0  }
0xb: {  	s11 =	sadd.s32 $0xB600, s31;
	[dreg:$0xe] =	wrdreg s9  }
0xc: {  	s12 =	sadd.s32 $0xB800, s31;
	[dreg:$0xf] =	wrdreg s11  }
0xd: {  	s13 =	sadd.s32 $0xBA00, s31;
	[dreg:$0x10] =	wrdreg s12  }
0xe: {  	s2 =	sshll.u32 s8, $0x3;
	s15 =	sadd.s32 $0xBC00, s31;
	[dreg:$0x11] =	wrdreg s13  }
0xf: {  	s14 =	sadd.s32 $0x1200, s2;
	[dreg:$0x12] =	wrdreg s15  }
0x10: {  	s17 =	sadd.s32 $0xBE00, s31;
	[dreg:$0x3] =	wrdreg s14  }
0x11: {  	s16 =	sadd.s32 $0x1000, s2;
	[dreg:$0x13] =	wrdreg s17  }
0x12: {  	s19 =	sadd.s32 $0xC000, s31;
	[dreg:$0x4] =	wrdreg s16  }
0x13: {  	s18 =	sadd.s32 $0xE00, s2;
	[dreg:$0x14] =	wrdreg s19  }
0x14: {  	s21 =	sadd.s32 $0xC200, s31;
	[dreg:$0x5] =	wrdreg s18  }
0x15: {  	s20 =	sadd.s32 $0xC00, s2;
	[dreg:$0x15] =	wrdreg s21  }
0x16: {  	s23 =	sadd.s32 $0xC400, s31;
	[dreg:$0x6] =	wrdreg s20  }
0x17: {  	s26 =	smul.u32 $0x19000, s10;
	s22 =	sadd.s32 $0xA00, s2;
	[dreg:$0x16] =	wrdreg s23  }
0x18: {  	s10 =	simm.s32 $0xA;
	s24 =	sadd.s32 $0x800, s2;
	[dreg:$0x7] =	wrdreg s22  }
0x19: {  	s1 =	smul.u32 $0xC800, s1;
	s25 =	sor.u32 $0x600, s2;
	[dreg:$0x8] =	wrdreg s24  }
0x1a: {  	s7 =	simm.s32 $0x7;
	s28 =	sor.u32 $0x400, s2;
	[dreg:$0x9] =	wrdreg s25  }
0x1b: {  	s8 =	simm.s32 $0x8;
	s29 =	sor.u32 $0x200, s2;
	[dreg:$0xa] =	wrdreg s28  }
0x1c: {  	s2 =	simm.s32 $0x12;
	s0 =	sadd.s32 $0xC600, s31;
	[dreg:$0xb] =	wrdreg s29  }
0x1d: {  	s31 =	sadd.s32 s1, s26;
	s18 =	simm.s32 $0x40;
	s9 =	simm.s32 $0x9  }
0x1e: {  	s11 =	simm.s32 $0xB;
	s12 =	simm.s32 $0xC;
	s13 =	simm.s32 $0xD  }
0x1f: {  	s14 =	simm.s32 $0xE;
	s15 =	simm.s32 $0xF;
	s16 =	simm.s32 $0x10  }
0x20: {  	s17 =	simm.s32 $0x11;
	s19 =	simm.s32 $0x13;
	[dreg:$0x17] =	wrdreg s0  }
0x21: {  	s20 =	simm.s32 $0x14;
	[dreg:$0xc] =	wrdreg s31;
	s0 =	simm.s32 $0x0  }
.LBB2_1:
0x22: {  	[dreg:$0x19] =	wrdreg s0  }
0x23: {  	s22 =	rddreg [dreg:$0xd];
	s26 =	simm.s32 $0x15  }
0x24: {  	[tilespmem:s3], [sflag:$0x15] =	stream.linear.gather [hbm4b:s22+s3], $0x1900, $0x38;
	[tilespmem:$0xB900] =	vst v63  }
0x25: {  	_ =	swait.ge [sflag:s26], $0x1900  }
0x26: {  	[sflag:s26] =	ssyncset.done $0x0  }
0x27: {  	s0 =	simm.s32 $0x1900;
	[sflag:s26] =	ssyncadd.s32 $0xFFFFE700  }
0x28: {  	[tilespmem:s0], [sflag:$0x1] =	stream.indirect.gather [hbm4b:s4+s18], $0x40, s3, s18, $0xb8;
	[tilespmem:$0xB900] =	vst v63  }
0x29: {  	s23 =	simm.s32 $0x2900  }
0x2a: {  	[tilespmem:s23], [sflag:$0x2] =	stream.indirect.gather [hbm4b:s4+s18], $0x40, s18, s18, $0xb8;
	[tilespmem:$0xB900] =	vst v63  }
0x2b: {  	s28 =	simm.s32 $0x80;
	s26 =	simm.s32 $0x3900  }
0x2c: {  	[tilespmem:s26], [sflag:$0x3] =	stream.indirect.gather [hbm4b:s4+s18], $0x40, s28, s18, $0xb8;
	[tilespmem:$0xB900] =	vst v63  }
0x2d: {  	s29 =	simm.s32 $0xC0;
	s28 =	simm.s32 $0x4900  }
0x2e: {  	[tilespmem:s28], [sflag:$0x4] =	stream.indirect.gather [hbm4b:s4+s18], $0x40, s29, s18, $0xb8;
	[tilespmem:$0xB900] =	vst v63  }
0x2f: {  	s30 =	simm.s32 $0x100;
	s1 =	simm.s32 $0x5900  }
0x30: {  	[tilespmem:s1], [sflag:$0x5] =	stream.indirect.gather [hbm4b:s4+s18], $0x40, s30, s18, $0xb8;
	[tilespmem:$0xB900] =	vst v63  }
0x31: {  	s31 =	simm.s32 $0x140;
	s21 =	simm.s32 $0x6900  }
0x32: {  	[tilespmem:s21], [sflag:$0x6] =	stream.indirect.gather [hbm4b:s4+s18], $0x40, s31, s18, $0xb8;
	[tilespmem:$0xB900] =	vst v63  }
0x33: {  	s5 =	simm.s32 $0x180;
	s25 =	simm.s32 $0x7900  }
0x34: {  	[tilespmem:s25], [sflag:$0x7] =	stream.indirect.gather [hbm4b:s4+s18], $0x40, s5, s18, $0xb8;
	[tilespmem:$0xB900] =	vst v63  }
0x35: {  	s6 =	simm.s32 $0x1C0;
	s29 =	simm.s32 $0x8900  }
0x36: {  	[tilespmem:s29], [sflag:$0x8] =	stream.indirect.gather [hbm4b:s4+s18], $0x40, s6, s18, $0xb8;
	[tilespmem:$0xB900] =	vst v63  }
0x37: {  	s30 =	simm.s32 $0x9900;
	s5 =	simm.s32 $0x200  }
0x38: {  	[tilespmem:s30], [sflag:$0x9] =	stream.indirect.gather [hbm4b:s4+s18], $0x40, s5, s18, $0xb8;
	[tilespmem:$0xB900] =	vst v63  }
0x39: {  	s24 =	simm.s32 $0x1;
	s22 =	simm.s32 $0x240;
	s6 =	simm.s32 $0xA900  }
0x3a: {  	[tilespmem:s6], [sflag:$0xA] =	stream.indirect.gather [hbm4b:s4+s18], $0x40, s22, s18, $0xb8;
	[tilespmem:$0xB900] =	vst v63  }
0x3b: {  	_ =	swait.ge [sflag:s24], $0x1000  }
0x3c: {  	[sflag:s24] =	ssyncset.done $0x0  }
0x3d: {  	s31 =	rddreg [dreg:$0xc];
	[sflag:s24] =	ssyncadd.s32 $0xFFFFF000  }
0x3e: {  	s24 =	rddreg [dreg:$0x1]  }
0x3f: {  	s22 =	sadd.s32 s24, s31  }
0x40: {  	[hbm4b:s22+s3] =	stream.linear.scatter [tilespmem:s0], [sflag:$0xB], $0x1000, $0x38;
	[tilespmem:$0xB900] =	vst v63  }
0x41: {  	s22 =	simm.s32 $0x2  }
0x42: {  	_ =	swait.ge [sflag:s22], $0x1000  }
0x43: {  	s31 =	rddreg [dreg:$0xb];
	[sflag:s22] =	ssyncset.done $0x0  }
0x44: {  	[sflag:s22] =	ssyncadd.s32 $0xFFFFF000;
	s22 =	sadd.s32 s24, s31  }
0x45: {  	[hbm4b:s22+s3] =	stream.linear.scatter [tilespmem:s23], [sflag:$0xC], $0x1000, $0x38;
	[tilespmem:$0xB900] =	vst v63  }
0x46: {  	s22 =	simm.s32 $0x3  }
0x47: {  	_ =	swait.ge [sflag:s22], $0x1000  }
0x48: {  	s31 =	rddreg [dreg:$0xa];
	[sflag:s22] =	ssyncset.done $0x0  }
0x49: {  	[sflag:s22] =	ssyncadd.s32 $0xFFFFF000;
	s22 =	sadd.s32 s24, s31  }
0x4a: {  	[hbm4b:s22+s3] =	stream.linear.scatter [tilespmem:s26], [sflag:$0xD], $0x1000, $0x38;
	[tilespmem:$0xB900] =	vst v63  }
0x4b: {  	s22 =	simm.s32 $0x4  }
0x4c: {  	_ =	swait.ge [sflag:s22], $0x1000  }
0x4d: {  	s31 =	rddreg [dreg:$0x9];
	[sflag:s22] =	ssyncset.done $0x0  }
0x4e: {  	[sflag:s22] =	ssyncadd.s32 $0xFFFFF000;
	s22 =	sadd.s32 s24, s31  }
0x4f: {  	[hbm4b:s22+s3] =	stream.linear.scatter [tilespmem:s28], [sflag:$0xE], $0x1000, $0x38;
	[tilespmem:$0xB900] =	vst v63  }
0x50: {  	s22 =	simm.s32 $0x5  }
0x51: {  	_ =	swait.ge [sflag:s22], $0x1000  }
0x52: {  	s31 =	rddreg [dreg:$0x8];
	[sflag:s22] =	ssyncset.done $0x0  }
0x53: {  	[sflag:s22] =	ssyncadd.s32 $0xFFFFF000;
	s22 =	sadd.s32 s24, s31  }
0x54: {  	[hbm4b:s22+s3] =	stream.linear.scatter [tilespmem:s1], [sflag:$0xF], $0x1000, $0x38;
	[tilespmem:$0xB900] =	vst v63  }
0x55: {  	s22 =	simm.s32 $0x6  }
0x56: {  	_ =	swait.ge [sflag:s22], $0x1000  }
0x57: {  	s31 =	rddreg [dreg:$0x7];
	[sflag:s22] =	ssyncset.done $0x0  }
0x58: {  	[sflag:s22] =	ssyncadd.s32 $0xFFFFF000;
	s22 =	sadd.s32 s24, s31  }
0x59: {  	[hbm4b:s22+s3] =	stream.linear.scatter [tilespmem:s21], [sflag:$0x10], $0x1000, $0x38;
	[tilespmem:$0xB900] =	vst v63  }
0x5a: {  	_ =	swait.ge [sflag:s7], $0x1000  }
0x5b: {  	s31 =	rddreg [dreg:$0x6];
	[sflag:s7] =	ssyncset.done $0x0  }
0x5c: {  	[sflag:s7] =	ssyncadd.s32 $0xFFFFF000;
	s22 =	sadd.s32 s24, s31  }
0x5d: {  	[hbm4b:s22+s3] =	stream.linear.scatter [tilespmem:s25], [sflag:$0x11], $0x1000, $0x38;
	[tilespmem:$0xB900] =	vst v63  }
0x5e: {  	_ =	swait.ge [sflag:s8], $0x1000  }
0x5f: {  	s5 =	rddreg [dreg:$0x5];
	[sflag:s8] =	ssyncset.done $0x0  }
0x60: {  	[sflag:s8] =	ssyncadd.s32 $0xFFFFF000;
	s22 =	sadd.s32 s24, s5  }
0x61: {  	[hbm4b:s22+s3] =	stream.linear.scatter [tilespmem:s29], [sflag:$0x12], $0x1000, $0x38;
	[tilespmem:$0xB900] =	vst v63  }
0x62: {  	_ =	swait.ge [sflag:s9], $0x1000  }
0x63: {  	s31 =	rddreg [dreg:$0x4];
	[sflag:s9] =	ssyncset.done $0x0  }
0x64: {  	[sflag:s9] =	ssyncadd.s32 $0xFFFFF000;
	s22 =	sadd.s32 s24, s31  }
0x65: {  	[hbm4b:s22+s3] =	stream.linear.scatter [tilespmem:s30], [sflag:$0x13], $0x1000, $0x38;
	[tilespmem:$0xB900] =	vst v63  }
0x66: {  	_ =	swait.ge [sflag:s10], $0x1000  }
0x67: {  	s5 =	rddreg [dreg:$0x3];
	[sflag:s10] =	ssyncset.done $0x0  }
0x68: {  	[sflag:s10] =	ssyncadd.s32 $0xFFFFF000;
	s22 =	sadd.s32 s24, s5  }
0x69: {  	[hbm4b:s22+s3] =	stream.linear.scatter [tilespmem:s6], [sflag:$0x14], $0x1000, $0x38;
	[tilespmem:$0xB900] =	vst v63  }
0x6a: {  	_ =	swait.ge [sflag:s11], $0x1000  }
0x6b: {  	[sflag:s11] =	ssyncset.done $0x0  }
0x6c: {  	s6 =	simm.s32 $0x280;
	[sflag:s11] =	ssyncadd.s32 $0xFFFFF000  }
0x6d: {  	[tilespmem:s0], [sflag:$0x1] =	stream.indirect.gather [hbm4b:s4+s18], $0x40, s6, s18, $0xb8;
	[tilespmem:$0xB900] =	vst v63  }
0x6e: {  	_ =	swait.ge [sflag:s12], $0x1000  }
0x6f: {  	[sflag:s12] =	ssyncset.done $0x0  }
0x70: {  	s31 =	simm.s32 $0x2C0;
	[sflag:s12] =	ssyncadd.s32 $0xFFFFF000  }
0x71: {  	[tilespmem:s23], [sflag:$0x2] =	stream.indirect.gather [hbm4b:s4+s18], $0x40, s31, s18, $0xb8;
	[tilespmem:$0xB900] =	vst v63  }
0x72: {  	_ =	swait.ge [sflag:s13], $0x1000  }
0x73: {  	[sflag:s13] =	ssyncset.done $0x0  }
0x74: {  	s0 =	simm.s32 $0x300;
	[sflag:s13] =	ssyncadd.s32 $0xFFFFF000  }
0x75: {  	[tilespmem:s26], [sflag:$0x3] =	stream.indirect.gather [hbm4b:s4+s18], $0x40, s0, s18, $0xb8;
	[tilespmem:$0xB900] =	vst v63  }
0x76: {  	_ =	swait.ge [sflag:s14], $0x1000  }
0x77: {  	[sflag:s14] =	ssyncset.done $0x0  }
0x78: {  	s5 =	simm.s32 $0x340;
	[sflag:s14] =	ssyncadd.s32 $0xFFFFF000  }
0x79: {  	[tilespmem:s28], [sflag:$0x4] =	stream.indirect.gather [hbm4b:s4+s18], $0x40, s5, s18, $0xb8;
	[tilespmem:$0xB900] =	vst v63  }
0x7a: {  	_ =	swait.ge [sflag:s15], $0x1000  }
0x7b: {  	[sflag:s15] =	ssyncset.done $0x0  }
0x7c: {  	s6 =	simm.s32 $0x380;
	[sflag:s15] =	ssyncadd.s32 $0xFFFFF000  }
0x7d: {  	[tilespmem:s1], [sflag:$0x5] =	stream.indirect.gather [hbm4b:s4+s18], $0x40, s6, s18, $0xb8;
	[tilespmem:$0xB900] =	vst v63  }
0x7e: {  	_ =	swait.ge [sflag:s16], $0x1000  }
0x7f: {  	[sflag:s16] =	ssyncset.done $0x0  }
0x80: {  	s23 =	simm.s32 $0x3C0;
	[sflag:s16] =	ssyncadd.s32 $0xFFFFF000  }
0x81: {  	[tilespmem:s21], [sflag:$0x6] =	stream.indirect.gather [hbm4b:s4+s18], $0x40, s23, s18, $0xb8;
	[tilespmem:$0xB900] =	vst v63  }
0x82: {  	_ =	swait.ge [sflag:s17], $0x1000  }
0x83: {  	[sflag:s17] =	ssyncset.done $0x0  }
0x84: {  	s26 =	simm.s32 $0x400;
	[sflag:s17] =	ssyncadd.s32 $0xFFFFF000  }
0x85: {  	[tilespmem:s25], [sflag:$0x7] =	stream.indirect.gather [hbm4b:s4+s18], $0x40, s26, s18, $0xb8;
	[tilespmem:$0xB900] =	vst v63  }
0x86: {  	_ =	swait.ge [sflag:s2], $0x1000  }
0x87: {  	[sflag:s2] =	ssyncset.done $0x0  }
0x88: {  	s28 =	simm.s32 $0x440;
	[sflag:s2] =	ssyncadd.s32 $0xFFFFF000  }
0x89: {  	[tilespmem:s29], [sflag:$0x8] =	stream.indirect.gather [hbm4b:s4+s18], $0x40, s28, s18, $0xb8;
	[tilespmem:$0xB900] =	vst v63  }
0x8a: {  	_ =	swait.ge [sflag:s19], $0x1000  }
0x8b: {  	[sflag:s19] =	ssyncset.done $0x0  }
0x8c: {  	s31 =	simm.s32 $0x480;
	[sflag:s19] =	ssyncadd.s32 $0xFFFFF000  }
0x8d: {  	[tilespmem:s30], [sflag:$0x9] =	stream.indirect.gather [hbm4b:s4+s18], $0x40, s31, s18, $0xb8;
	[tilespmem:$0xB900] =	vst v63  }
0x8e: {  	_ =	swait.ge [sflag:s20], $0x1000  }
0x8f: {  	s24 =	sadd.s32 $0x1400, s24;
	[sflag:s20] =	ssyncset.done $0x0  }
0x90: {  	s22 =	simm.s32 $0xA00;
	s26 =	simm.s32 $0x4C0;
	[sflag:s20] =	ssyncadd.s32 $0xFFFFF000  }
.LBB2_2:
0x91: {  	s0 =	simm.s32 $0xA900;
	s1 =	simm.s32 $0x1  }
0x92: {  	[tilespmem:s0], [sflag:$0xA] =	stream.indirect.gather [hbm4b:s4+s18], $0x40, s26, s18, $0xb8;
	[tilespmem:$0xB900] =	vst v63  }
0x93: {  	_ =	swait.ge [sflag:s1], $0x1000  }
0x94: {  	s31 =	simm.s32 $0x1900;
	s29 =	rddreg [dreg:$0xc];
	[sflag:s1] =	ssyncset.done $0x0  }
0x95: {  	s23 =	simm.s32 $0x2;
	[sflag:s1] =	ssyncadd.s32 $0xFFFFF000;
	s29 =	sadd.s32 s24, s29  }
0x96: {  	[hbm4b:s29+s3] =	stream.linear.scatter [tilespmem:s31], [sflag:$0xB], $0x1000, $0x38;
	[tilespmem:$0xB900] =	vst v63  }
0x97: {  	_ =	swait.ge [sflag:s23], $0x1000  }
0x98: {  	s5 =	simm.s32 $0x3;
	s25 =	rddreg [dreg:$0xb];
	[sflag:s23] =	ssyncset.done $0x0  }
0x99: {  	[sflag:s23] =	ssyncadd.s32 $0xFFFFF000;
	s29 =	sadd.s32 s24, s25;
	s23 =	simm.s32 $0x2900  }
0x9a: {  	[hbm4b:s29+s3] =	stream.linear.scatter [tilespmem:s23], [sflag:$0xC], $0x1000, $0x38;
	[tilespmem:$0xB900] =	vst v63  }
0x9b: {  	_ =	swait.ge [sflag:s5], $0x1000  }
0x9c: {  	s28 =	simm.s32 $0x3900;
	s6 =	rddreg [dreg:$0xa];
	[sflag:s5] =	ssyncset.done $0x0  }
0x9d: {  	s21 =	simm.s32 $0x4;
	[sflag:s5] =	ssyncadd.s32 $0xFFFFF000;
	s29 =	sadd.s32 s24, s6  }
0x9e: {  	[hbm4b:s29+s3] =	stream.linear.scatter [tilespmem:s28], [sflag:$0xD], $0x1000, $0x38;
	[tilespmem:$0xB900] =	vst v63  }
0x9f: {  	_ =	swait.ge [sflag:s21], $0x1000  }
0xa0: {  	s30 =	simm.s32 $0x4900;
	s25 =	rddreg [dreg:$0x9];
	[sflag:s21] =	ssyncset.done $0x0  }
0xa1: {  	s5 =	simm.s32 $0x5;
	[sflag:s21] =	ssyncadd.s32 $0xFFFFF000;
	s29 =	sadd.s32 s24, s25  }
0xa2: {  	[hbm4b:s29+s3] =	stream.linear.scatter [tilespmem:s30], [sflag:$0xE], $0x1000, $0x38;
	[tilespmem:$0xB900] =	vst v63  }
0xa3: {  	_ =	swait.ge [sflag:s5], $0x1000  }
0xa4: {  	s1 =	simm.s32 $0x5900;
	s6 =	rddreg [dreg:$0x8];
	[sflag:s5] =	ssyncset.done $0x0  }
0xa5: {  	[sflag:s5] =	ssyncadd.s32 $0xFFFFF000;
	s29 =	sadd.s32 s24, s6;
	s5 =	simm.s32 $0x6  }
0xa6: {  	[hbm4b:s29+s3] =	stream.linear.scatter [tilespmem:s1], [sflag:$0xF], $0x1000, $0x38;
	[tilespmem:$0xB900] =	vst v63  }
0xa7: {  	_ =	swait.ge [sflag:s5], $0x1000  }
0xa8: {  	s21 =	rddreg [dreg:$0x7];
	[sflag:s5] =	ssyncset.done $0x0  }
0xa9: {  	[sflag:s5] =	ssyncadd.s32 $0xFFFFF000;
	s29 =	sadd.s32 s24, s21;
	s21 =	simm.s32 $0x6900  }
0xaa: {  	[hbm4b:s29+s3] =	stream.linear.scatter [tilespmem:s21], [sflag:$0x10], $0x1000, $0x38;
	[tilespmem:$0xB900] =	vst v63  }
0xab: {  	_ =	swait.ge [sflag:s7], $0x1000  }
0xac: {  	s25 =	rddreg [dreg:$0x6];
	[sflag:s7] =	ssyncset.done $0x0  }
0xad: {  	[sflag:s7] =	ssyncadd.s32 $0xFFFFF000;
	s29 =	sadd.s32 s24, s25;
	s25 =	simm.s32 $0x7900  }
0xae: {  	[hbm4b:s29+s3] =	stream.linear.scatter [tilespmem:s25], [sflag:$0x11], $0x1000, $0x38;
	[tilespmem:$0xB900] =	vst v63  }
0xaf: {  	_ =	swait.ge [sflag:s8], $0x1000  }
0xb0: {  	s5 =	rddreg [dreg:$0x5];
	[sflag:s8] =	ssyncset.done $0x0  }
0xb1: {  	[sflag:s8] =	ssyncadd.s32 $0xFFFFF000;
	s29 =	sadd.s32 s24, s5;
	s5 =	simm.s32 $0x8900  }
0xb2: {  	[hbm4b:s29+s3] =	stream.linear.scatter [tilespmem:s5], [sflag:$0x12], $0x1000, $0x38;
	[tilespmem:$0xB900] =	vst v63  }
0xb3: {  	_ =	swait.ge [sflag:s9], $0x1000  }
0xb4: {  	s6 =	rddreg [dreg:$0x4];
	[sflag:s9] =	ssyncset.done $0x0  }
0xb5: {  	[sflag:s9] =	ssyncadd.s32 $0xFFFFF000;
	s29 =	sadd.s32 s24, s6;
	s6 =	simm.s32 $0x9900  }
0xb6: {  	[hbm4b:s29+s3] =	stream.linear.scatter [tilespmem:s6], [sflag:$0x13], $0x1000, $0x38;
	[tilespmem:$0xB900] =	vst v63  }
0xb7: {  	_ =	swait.ge [sflag:s10], $0x1000  }
0xb8: {  	s29 =	rddreg [dreg:$0x3];
	[sflag:s10] =	ssyncset.done $0x0  }
0xb9: {  	[sflag:s10] =	ssyncadd.s32 $0xFFFFF000;
	s29 =	sadd.s32 s24, s29  }
0xba: {  	[hbm4b:s29+s3] =	stream.linear.scatter [tilespmem:s0], [sflag:$0x14], $0x1000, $0x38;
	[tilespmem:$0xB900] =	vst v63  }
0xbb: {  	s26 =	smov.u32 s22;
	_ =	swait.ge [sflag:s11], $0x1000  }
0xbc: {  	s26 =	sshra.s32 s26, $0x2;
	[sflag:s11] =	ssyncset.done $0x0  }
0xbd: {  	s29 =	sadd.s32 $0x280, s26;
	[sflag:s11] =	ssyncadd.s32 $0xFFFFF000  }
0xbe: {  	[tilespmem:s31], [sflag:$0x1] =	stream.indirect.gather [hbm4b:s4+s18], $0x40, s29, s18, $0xb8;
	[tilespmem:$0xB900] =	vst v63  }
0xbf: {  	_ =	swait.ge [sflag:s12], $0x1000  }
0xc0: {  	[sflag:s12] =	ssyncset.done $0x0  }
0xc1: {  	s29 =	sadd.s32 $0x2C0, s26;
	[sflag:s12] =	ssyncadd.s32 $0xFFFFF000  }
0xc2: {  	[tilespmem:s23], [sflag:$0x2] =	stream.indirect.gather [hbm4b:s4+s18], $0x40, s29, s18, $0xb8;
	[tilespmem:$0xB900] =	vst v63  }
0xc3: {  	_ =	swait.ge [sflag:s13], $0x1000  }
0xc4: {  	[sflag:s13] =	ssyncset.done $0x0  }
0xc5: {  	s29 =	sadd.s32 $0x300, s26;
	[sflag:s13] =	ssyncadd.s32 $0xFFFFF000  }
0xc6: {  	[tilespmem:s28], [sflag:$0x3] =	stream.indirect.gather [hbm4b:s4+s18], $0x40, s29, s18, $0xb8;
	[tilespmem:$0xB900] =	vst v63  }
0xc7: {  	_ =	swait.ge [sflag:s14], $0x1000  }
0xc8: {  	[sflag:s14] =	ssyncset.done $0x0  }
0xc9: {  	s29 =	sadd.s32 $0x340, s26;
	[sflag:s14] =	ssyncadd.s32 $0xFFFFF000  }
0xca: {  	[tilespmem:s30], [sflag:$0x4] =	stream.indirect.gather [hbm4b:s4+s18], $0x40, s29, s18, $0xb8;
	[tilespmem:$0xB900] =	vst v63  }
0xcb: {  	_ =	swait.ge [sflag:s15], $0x1000  }
0xcc: {  	[sflag:s15] =	ssyncset.done $0x0  }
0xcd: {  	s29 =	sadd.s32 $0x380, s26;
	[sflag:s15] =	ssyncadd.s32 $0xFFFFF000  }
0xce: {  	[tilespmem:s1], [sflag:$0x5] =	stream.indirect.gather [hbm4b:s4+s18], $0x40, s29, s18, $0xb8;
	[tilespmem:$0xB900] =	vst v63  }
0xcf: {  	_ =	swait.ge [sflag:s16], $0x1000  }
0xd0: {  	[sflag:s16] =	ssyncset.done $0x0  }
0xd1: {  	s29 =	sadd.s32 $0x3C0, s26;
	[sflag:s16] =	ssyncadd.s32 $0xFFFFF000  }
0xd2: {  	[tilespmem:s21], [sflag:$0x6] =	stream.indirect.gather [hbm4b:s4+s18], $0x40, s29, s18, $0xb8;
	[tilespmem:$0xB900] =	vst v63  }
0xd3: {  	_ =	swait.ge [sflag:s17], $0x1000  }
0xd4: {  	[sflag:s17] =	ssyncset.done $0x0  }
0xd5: {  	s29 =	sadd.s32 $0x400, s26;
	[sflag:s17] =	ssyncadd.s32 $0xFFFFF000  }
0xd6: {  	[tilespmem:s25], [sflag:$0x7] =	stream.indirect.gather [hbm4b:s4+s18], $0x40, s29, s18, $0xb8;
	[tilespmem:$0xB900] =	vst v63  }
0xd7: {  	_ =	swait.ge [sflag:s2], $0x1000  }
0xd8: {  	p0 =	sne.s32 s22, $0x5000;
	s22 =	sadd.s32 $0xA00, s22;
	[sflag:s2] =	ssyncset.done $0x0  }
0xd9: {  	s24 =	sadd.s32 $0x1400, s24;
	s29 =	sadd.s32 $0x440, s26;
	[sflag:s2] =	ssyncadd.s32 $0xFFFFF000  }
0xda: {  	[tilespmem:s5], [sflag:$0x8] =	stream.indirect.gather [hbm4b:s4+s18], $0x40, s29, s18, $0xb8;
	[tilespmem:$0xB900] =	vst v63  }
0xdb: {  	s0 =	simm.s32 $0x1900;
	s31 =	simm.s32 $0x2900;
	_ =	swait.ge [sflag:s19], $0x1000  }
0xdc: {  	s23 =	simm.s32 $0x3900;
	s28 =	simm.s32 $0x4900;
	[sflag:s19] =	ssyncset.done $0x0  }
.Ltmp0:
0xdd: {  	s29 =	sadd.s32 $0x480, s26;
	[sflag:s19] =	ssyncadd.s32 $0xFFFFF000;
	(pc) =	sbr.rel @p0 .LBB2_2-.Ltmp0, $4  }
0xde: {  	[tilespmem:s6], [sflag:$0x9] =	stream.indirect.gather [hbm4b:s4+s18], $0x40, s29, s18, $0xb8;
	[tilespmem:$0xB900] =	vst v63  }
0xdf: {  	s30 =	simm.s32 $0x5900;
	s1 =	simm.s32 $0x6900;
	_ =	swait.ge [sflag:s20], $0x1000  }
0xe0: {  	s21 =	simm.s32 $0x7900;
	s25 =	simm.s32 $0x8900;
	[sflag:s20] =	ssyncset.done $0x0  }
0xe1: {  	s5 =	simm.s32 $0x9900;
	s26 =	sadd.s32 $0x4C0, s26;
	[sflag:s20] =	ssyncadd.s32 $0xFFFFF000  }
0xe2: {  	s6 =	simm.s32 $0xA900;
	s22 =	simm.s32 $0x1  }
0xe3: {  	[tilespmem:s6], [sflag:$0xA] =	stream.indirect.gather [hbm4b:s4+s18], $0x40, s26, s18, $0xb8;
	[tilespmem:$0xB900] =	vst v63  }
0xe4: {  	_ =	swait.ge [sflag:s22], $0x1000  }
0xe5: {  	[sflag:s22] =	ssyncset.done $0x0  }
0xe6: {  	s29 =	simm.s32 $0x2;
	s26 =	rddreg [dreg:$0xe];
	[sflag:s22] =	ssyncadd.s32 $0xFFFFF000  }
0xe7: {  	[hbm4b:s26+s3] =	stream.linear.scatter [tilespmem:s0], [sflag:$0xB], $0x1000, $0x38;
	[tilespmem:$0xB900] =	vst v63  }
0xe8: {  	_ =	swait.ge [sflag:s29], $0x1000  }
0xe9: {  	[sflag:s29] =	ssyncset.done $0x0  }
0xea: {  	s22 =	simm.s32 $0x3;
	s0 =	rddreg [dreg:$0xf];
	[sflag:s29] =	ssyncadd.s32 $0xFFFFF000  }
0xeb: {  	[hbm4b:s0+s3] =	stream.linear.scatter [tilespmem:s31], [sflag:$0xC], $0x1000, $0x38;
	[tilespmem:$0xB900] =	vst v63  }
0xec: {  	_ =	swait.ge [sflag:s22], $0x1000  }
0xed: {  	[sflag:s22] =	ssyncset.done $0x0  }
0xee: {  	s26 =	simm.s32 $0x4;
	s24 =	rddreg [dreg:$0x10];
	[sflag:s22] =	ssyncadd.s32 $0xFFFFF000  }
0xef: {  	[hbm4b:s24+s3] =	stream.linear.scatter [tilespmem:s23], [sflag:$0xD], $0x1000, $0x38;
	[tilespmem:$0xB900] =	vst v63  }
0xf0: {  	_ =	swait.ge [sflag:s26], $0x1000  }
0xf1: {  	[sflag:s26] =	ssyncset.done $0x0  }
0xf2: {  	s31 =	simm.s32 $0x5;
	s29 =	rddreg [dreg:$0x11];
	[sflag:s26] =	ssyncadd.s32 $0xFFFFF000  }
0xf3: {  	[hbm4b:s29+s3] =	stream.linear.scatter [tilespmem:s28], [sflag:$0xE], $0x1000, $0x38;
	[tilespmem:$0xB900] =	vst v63  }
0xf4: {  	_ =	swait.ge [sflag:s31], $0x1000  }
0xf5: {  	[sflag:s31] =	ssyncset.done $0x0  }
0xf6: {  	s22 =	simm.s32 $0x6;
	s0 =	rddreg [dreg:$0x12];
	[sflag:s31] =	ssyncadd.s32 $0xFFFFF000  }
0xf7: {  	[hbm4b:s0+s3] =	stream.linear.scatter [tilespmem:s30], [sflag:$0xF], $0x1000, $0x38;
	[tilespmem:$0xB900] =	vst v63  }
0xf8: {  	_ =	swait.ge [sflag:s22], $0x1000  }
0xf9: {  	[sflag:s22] =	ssyncset.done $0x0  }
0xfa: {  	s23 =	rddreg [dreg:$0x13];
	[sflag:s22] =	ssyncadd.s32 $0xFFFFF000  }
0xfb: {  	[hbm4b:s23+s3] =	stream.linear.scatter [tilespmem:s1], [sflag:$0x10], $0x1000, $0x38;
	[tilespmem:$0xB900] =	vst v63  }
0xfc: {  	_ =	swait.ge [sflag:s7], $0x1000  }
0xfd: {  	[sflag:s7] =	ssyncset.done $0x0  }
0xfe: {  	s24 =	rddreg [dreg:$0x14];
	[sflag:s7] =	ssyncadd.s32 $0xFFFFF000  }
0xff: {  	[hbm4b:s24+s3] =	stream.linear.scatter [tilespmem:s21], [sflag:$0x11], $0x1000, $0x38;
	[tilespmem:$0xB900] =	vst v63  }
0x100: {  	_ =	swait.ge [sflag:s8], $0x1000  }
0x101: {  	[sflag:s8] =	ssyncset.done $0x0  }
0x102: {  	s26 =	rddreg [dreg:$0x15];
	[sflag:s8] =	ssyncadd.s32 $0xFFFFF000  }
0x103: {  	[hbm4b:s26+s3] =	stream.linear.scatter [tilespmem:s25], [sflag:$0x12], $0x1000, $0x38;
	[tilespmem:$0xB900] =	vst v63  }
0x104: {  	_ =	swait.ge [sflag:s9], $0x1000  }
0x105: {  	[sflag:s9] =	ssyncset.done $0x0  }
0x106: {  	s28 =	rddreg [dreg:$0x16];
	[sflag:s9] =	ssyncadd.s32 $0xFFFFF000  }
0x107: {  	[hbm4b:s28+s3] =	stream.linear.scatter [tilespmem:s5], [sflag:$0x13], $0x1000, $0x38;
	[tilespmem:$0xB900] =	vst v63  }
0x108: {  	_ =	swait.ge [sflag:s10], $0x1000  }
0x109: {  	[sflag:s10] =	ssyncset.done $0x0  }
0x10a: {  	s29 =	rddreg [dreg:$0x17];
	[sflag:s10] =	ssyncadd.s32 $0xFFFFF000  }
0x10b: {  	[hbm4b:s29+s3] =	stream.linear.scatter [tilespmem:s6], [sflag:$0x14], $0x1000, $0x38;
	[tilespmem:$0xB900] =	vst v63  }
0x10c: {  	_ =	swait.ge [sflag:s11], $0x1000  }
0x10d: {  	[sflag:s11] =	ssyncset.done $0x0  }
0x10e: {  	[sflag:s11] =	ssyncadd.s32 $0xFFFFF000  }
0x10f: {  	_ =	swait.ge [sflag:s12], $0x1000  }
0x110: {  	[sflag:s12] =	ssyncset.done $0x0  }
0x111: {  	[sflag:s12] =	ssyncadd.s32 $0xFFFFF000  }
0x112: {  	_ =	swait.ge [sflag:s13], $0x1000  }
0x113: {  	[sflag:s13] =	ssyncset.done $0x0  }
0x114: {  	[sflag:s13] =	ssyncadd.s32 $0xFFFFF000  }
0x115: {  	_ =	swait.ge [sflag:s14], $0x1000  }
0x116: {  	[sflag:s14] =	ssyncset.done $0x0  }
0x117: {  	[sflag:s14] =	ssyncadd.s32 $0xFFFFF000  }
0x118: {  	_ =	swait.ge [sflag:s15], $0x1000  }
0x119: {  	[sflag:s15] =	ssyncset.done $0x0  }
0x11a: {  	[sflag:s15] =	ssyncadd.s32 $0xFFFFF000  }
0x11b: {  	_ =	swait.ge [sflag:s16], $0x1000  }
0x11c: {  	[sflag:s16] =	ssyncset.done $0x0  }
0x11d: {  	[sflag:s16] =	ssyncadd.s32 $0xFFFFF000  }
0x11e: {  	_ =	swait.ge [sflag:s17], $0x1000  }
0x11f: {  	[sflag:s17] =	ssyncset.done $0x0  }
0x120: {  	[sflag:s17] =	ssyncadd.s32 $0xFFFFF000  }
0x121: {  	_ =	swait.ge [sflag:s2], $0x1000  }
0x122: {  	[sflag:s2] =	ssyncset.done $0x0  }
0x123: {  	[sflag:s2] =	ssyncadd.s32 $0xFFFFF000  }
0x124: {  	_ =	swait.ge [sflag:s19], $0x1000  }
0x125: {  	[sflag:s19] =	ssyncset.done $0x0  }
0x126: {  	[sflag:s19] =	ssyncadd.s32 $0xFFFFF000  }
0x127: {  	_ =	swait.ge [sflag:s20], $0x1000  }
0x128: {  	s30 =	rddreg [dreg:$0x19]  }
0x129: {  	s31 =	rddreg [dreg:$0x18];
	s0 =	sadd.s32 $0x1, s30  }
0x12a: {  	p0 =	sne.s32 s0, s31  }
.Ltmp1:
0x12b: {  	_ = 	snop;
	(pc) =	sbr.rel @p0 .LBB2_1-.Ltmp1, $3  }
0x12c: {  	_ =	sdelay $0x1  }
0x12d: {  	[sflag:s20] =	ssyncset.done $0x0  }
0x12e: {  	[sflag:s20] =	ssyncadd.s32 $0xFFFFF000  }
0x12f: {  	_ =	sfence.sel $0x180000  }
0x130: {  	[bflag:$0x0] =	sbarrier.arrive $0xFFFF  }
0x131: {  	_ =	strace $0x9000004A  }
0x132: {  	s0 =	stileid.u32;
	[bflag:$0x2] =	sbarrier.arrive $0xFFFF  }
0x133: {  	p0 =	sne.s32 s0, $0x0;
	s0 =	rddreg [dreg:$0x2]  }
0x134: {  	s0 =	sadd.s32 @!p0 $0x100000, s0  }
0x135: {  	[sflag:s0] =	ssyncadd.tile.s32 @!p0 $0x1;
	_ =	shalt  }
.Lfunc_end2:
_tile_overlayer_lowered:
.L_overlay_start_2:
0x136: {  	(tag) =	ssettag $0x2  }
0x137: {  	s0 =	rddreg [dreg:$0x0];
	s2 =	stileid.u32  }
0x138: {  	s1 =	rddreg [dreg:$0x1];
	p0 =	sne.s32 s2, $0x0  }
0x139: {  	s3 =	rddreg [dreg:$0x2];
	[bflag:$0x3] =	sbarrier.arrive $0xFFFF;
	s2 =	simm.s32 @!p0 $0x1C15  }
0x13a: {  	[timem:s3], [sflag:s2] =	dma.local @!p0 [hbm:s0], s1  }
0x13b: {  	s0 =	simm.s32 @!p0 $0x15  }
0x13c: {  	_ =	swait.ge @!p0 [sflag:s0], s1  }
0x13d: {  	s1 =	ssub.s32 @!p0 $0x0, s1;
	[sflag:s0] =	ssyncset.done @!p0 $0x0  }
0x13e: {  	[sflag:s0] =	ssyncadd.s32 @!p0 s1  }
0x13f: {  	[bflag:$0x3] =	sbarrier.arrive $0xFFFF  }
0x140: {  	_ =	shalt  }

// kernel: sparse-core-data-format-call.1.cloned.1.call-start
scs
called_computation.1_lowered:
.L_overlay_start_0:
0x0: {  	s2 =	sld [smem:$0x3FD9]  }
0x1: {  	s3 =	sld [smem:$0x3FFE];
	_ =	sdelay $0x1  }
0x2: {  	s1 =	srdreg.scid  }
0x3: {  	s0 =	sand.u32 $0x1, s1  }
0x4: {  	s18 =	sshll.u32 s0, $0xA;
	s2 =	sadd.s32 s3, s2  }
0x5: {  	s2 =	sadd.s32 s2, s18  }
0x6: {  	[smem:$0x3FC6] =	sst s2  }
0x7: {  	_ = 	snop  }
0x8: {  	s2 =	sld [smem:$0x3FC8];
	(tm) =	ssettm $0x1  }
0x9: {  	s19 =	sld [smem:$0x3FFB];
	_ =	sdelay $0x3  }
0xa: {  	_ =	strace s19  }
0xb: {  	s3 =	sld [smem:$0x3FFC];
	_ =	sdelay $0x3  }
0xc: {  	_ =	strace s3  }
0xd: {  	s3 =	sld [smem:$0x3FFD];
	_ =	sdelay $0x3  }
0xe: {  	_ =	strace s3  }
0xf: {  	_ =	strace $0x8FFFFFFF  }
0x10: {  	s20 =	sld [smem:$0x3FDB];
	_ =	sdelay $0x1  }
0x11: {  	s4 =	simm.s32 $_scs_section_size  }
0x12: {  	s5 =	simm.s32 $_size__tile_overlayer_lowered;
	s6 =	simm.s32 $_tile_overlayer_lowered  }
0x13: {  	s23 =	simm.s32 $0x1BFF;
	s22 =	sshll.u32 s6, $0x1;
	s3 =	sadd.s32 s4, s20  }
0x14: {  	s7 =	simm.s32 $0x0;
	s21 =	sshll.u32 s5, $0x1;
	s5 =	sadd.s32 s22, s3  }
0x15: {  	[timem:s7], [sflag:s23] =	dma.local [hbm:s5], s21  }
0x16: {  	_ =	swait.ge [sflag:s23], s21  }
0x17: {  	s4 =	ssub.s32 $0x0, s21;
	[sflag:s23] =	ssyncset.done $0x0  }
0x18: {  	[sflag:s23] =	ssyncadd.s32 s4;
	_ =	sdelay $0x1  }
0x19: {  	s24 =	simm.s32 $0x1B8B  }
0x1a: {  	_ =	swait.ge [sflag:s24], $0x1  }
0x1b: {  	[sflag:s24] =	ssyncset.done $0x0  }
0x1c: {  	s26 =	simm.s32 $0x1B8E;
	s25 =	sld [smem:$0x3FFE];
	[sflag:s24] =	ssyncadd.s32 $0xFFFFFFFF  }
0x1d: {  	s27 =	simm.s32 $execute0_lowered;
	[smem:$0x3FD2] =	sst s26  }
0x1e: {  	s5 =	sshll.u32 s27, $0x1;
	_ =	strace $0x80000046;
	[dreg:$0x1] =	wrdreg $0xFFFFFFFF  }
0x1f: {  	s28 =	simm.s32 $_size_execute0_lowered;
	s3 =	sadd.s32 s3, s5;
	[dreg:$0x0] =	wrdreg $0x0  }
0x20: {  	s5 =	sshll.u32 s28, $0x1;
	[dreg:$0x2] =	wrdreg s3  }
0x21: {  	[dreg:$0x3] =	wrdreg s5  }
0x22: {  	[dreg:$0x4] =	wrdreg $0xC0  }
0x23: {  	_ =	task [dreg:s7], $0x5FFFF  }
0x24: {  	[dreg:$0x1] =	wrdreg $0xFFFFFFFF  }
0x25: {  	[dreg:$0x0] =	wrdreg $0x60  }
0x26: {  	[dreg:$0x2] =	wrdreg s2  }
0x27: {  	[dreg:$0x3] =	wrdreg s25  }
0x28: {  	[dreg:$0x4] =	wrdreg $0x9  }
0x29: {  	_ =	task.clear_ibuf [dreg:s7], $0x5FFFF;
	_ =	strace $0x90000046  }
0x2a: {  	s29 =	simm.s32 $0x9;
	_ =	strace $0x80000048  }
0x2b: {  	_ =	swait.ge [sflag:s29], $0x1  }
0x2c: {  	[sflag:s29] =	ssyncadd.s32 $0xFFFFFFFF  }
0x2d: {  	_ =	strace $0x90000048  }
0x2e: {  	_ =	sfence  }
0x2f: {  	s30 =	sld [smem:$0x0];
	_ =	sdelay $0x2  }
0x30: {  	s31 =	sshll.u32 s1, $0xD;
	s1 =	sshrl.u32 s1, $0x2  }
0x31: {  	s3 =	sand.u32 $0x4000, s31;
	s1 =	sadd.s32 s1, s30  }
0x32: {  	s0 =	sor.u32 s3, s0;
	s1 =	sshll.u32 s1, $0x11  }
0x33: {  	s0 =	sor.u32 s1, s0  }
0x34: {  	s0 =	sadd.s32 $0x8F2B, s0  }
0x35: {  	[sflag:s0] =	ssyncadd.remote.s32 $0x1  }
0x36: {  	_ =	sfence.sel $0xFFFF  }
0x37: {  	[dreg:$0x0] =	wrdreg $0xFFFFFFFF;
	(pc) =	sbr.abs _section_cstart, $3  }
0x38: {  	[dreg:$0x1] =	wrdreg $0xFFFFFFFF  }
0x39: {  	_ =	task.clear_ibuf [dreg:s7], $0x2FFFF;
	_ =	strace $0x9FFFFFFF  }
0x3a: {  	(tm) =	ssettm $0x7FFFFFFF  }
0x3b: {  	_ =	shalt  }
tec
execute0_lowered:
.L_overlay_start_1:
0x0: {  	(tag) =	ssettag $0x1  }
0x1: {  	s0 =	srdreg.scid;
	s2 =	rddreg [dreg:$0x0]  }
0x2: {  	s5 =	rddreg [dreg:$0x1];
	s1 =	stileid.u32  }
0x3: {  	s4 =	simm.s32 $0x1;
	s6 =	simm.s32 $0x2;
	s15 =	simm.s32 $0x0  }
0x4: {  	p0 =	por $0x0, $0x0;
	s8 =	simm.s32 $0x80;
	s0 =	sshll.u32 s0, $0x4  }
0x5: {  	s14 =	simm.s32 $0x0;
	s9 =	simm.s32 $0x0;
	s3 =	sand.u32 $0x10, s0  }
.Ltmp0:
0x6: {  	s10 =	simm.s32 $0x0;
	s3 =	sor.u32 s1, s3;
	(pc) =	sbr.rel .LBB1_1-.Ltmp0, $4  }
0x7: {  	s0 =	rddreg [dreg:$0x2];
	_ =	strace $0x80000047;
	s3 =	sshll.u32 s3, $0x7  }
0x8: {  	s12 =	simm.s32 $0x0;
	[sflag:s4] =	ssyncpa.u1 $0x0;
	s7 =	ssub.s32 $0xF4200, s3  }
0x9: {  	s13 =	simm.s32 $0x0;
	[sflag:s6] =	ssyncpa.u1 $0x0;
	s6 =	sshrl.u32 s7, $0xC  }
0xa: {  	s5 =	sadd.s32 $0xE00, s5;
	s11 =	smov.u32 s3;
	s7 =	sadd.s32 $0x2, s6  }
.LBB1_5:
0xb: {  	p1 =	slt.u32 s13, $0x2  }
0xc: {  	s17 =	smov.u32 s15;
	p2 =	sgt.s32 @!p1 s15, $0xF41C0;
	s16 =	sshra.s32 @!p1 s15, $0x1F  }
0xd: {  	p3 =	sgt.s32 @!p1 s14, $0x40;
	s18 =	sshra.s32 @!p1 s14, $0x1F;
	p2 =	por !p2, p1  }
0xe: {  	s15 =	sand.u32 @!p1 s16, s15;
	p3 =	por !p3, p1;
	s16 =	smov.u32 s14  }
0xf: {  	s14 =	sand.u32 @!p1 s18, s14;
	s17 =	simm.s32 @p2 $0xF41C0;
	s16 =	simm.s32 @p3 $0x40  }
0x10: {  	s15 =	ssub.s32 @!p1 s17, s15;
	s14 =	ssub.s32 @!p1 s16, s14  }
0x11: {  	s18 =	smov.u32 s12;
	s16 =	sadd.s32 @!p1 $0xFFF0BE40, s15;
	s17 =	sadd.s32 @!p1 $0xFFFFFFC0, s14  }
0x12: {  	s15 =	ssub.s32 @!p1 $0xF4240, s15;
	p2 =	sgt.s32 @!p1 s16, $0x7F;
	p3 =	sgt.s32 @!p1 s17, $0x3F  }
0x13: {  	s14 =	ssub.s32 @!p1 $0x80, s14;
	p2 =	por !p2, p1;
	p3 =	por !p3, p1  }
0x14: {  	s16 =	sadd.s32 $0x1000, s11;
	s15 =	simm.s32 @!p2 $0x0;
	s14 =	simm.s32 @!p3 $0x0  }
0x15: {  	p2 =	sgt.s32 s16, $0xF423F;
	s14 =	smul.u32 @!p1 s14, s15;
	s15 =	sadd.s32 $0x40, s12  }
0x16: {  	s18 =	smov.u32 @p2 s15  }
0x17: {  	s16 =	smov.u32 @p2 s3;
	p2 =	sgt.s32 s18, $0x3F  }
0x18: {  	s18 =	simm.s32 @p2 $0x0;
	p2 =	sne.s32 s13, s7  }
.Ltmp1:
0x19: {  	p0 =	por !p0, !p0;
	s17 =	simm.s32 @!p1 $0x2;
	(pc) =	sbr.rel @!p2 .LBB1_6-.Ltmp1, $4  }
0x1a: {  	s15 =	smov.u32 s9;
	s9 =	smov.u32 s11;
	s14 =	sand.u32 @!p1 $0x3FFFFFFF, s14  }
0x1b: {  	s11 =	smov.u32 s16;
	_ =	swait.ge @!p1 [sflag:s17], s14;
	s19 =	ssub.s32 @!p1 $0x0, s14  }
0x1c: {  	s14 =	smov.u32 s10;
	s13 =	sadd.s32 $0x1, s13;
	[sflag:s17] =	ssyncset.done @!p1 $0x0  }
0x1d: {  	s10 =	smov.u32 s12;
	s12 =	smov.u32 s18;
	[sflag:s17] =	ssyncadd.s32 @!p1 s19  }
.LBB1_1:
0x1e: {  	p1 =	sgt.u32 s13, s6  }
0x1f: {  	s16 =	sshrl.u32 @!p1 s12, $0x3  }
0x20: {  	s17 =	sshll.u32 @!p1 s11, $0x3;
	s16 =	smul.u32 @!p1 $0x7A1400, s16  }
0x21: {  	s18 =	sshll.u32 @!p1 s12, $0x7;
	s17 =	sand.u32 @!p1 $0xFFFFFC00, s17  }
0x22: {  	s16 =	sadd.s32 @!p1 s16, s17;
	s17 =	sand.u32 @!p1 $0x380, s18  }
0x23: {  	s18 =	sand.u32 @!p1 $0x7F, s11;
	s16 =	sor.u32 @!p1 s17, s16  }
0x24: {  	s17 =	sor.u32 @!p1 s18, s16  }
0x25: {  	s18 =	smulhi.u32 @!p1 $0x218D6287, s17;
	_ =	sdelay $0x1  }
0x26: {  	s16 =	smulhi.u32 @!p1 $0x218D6287, s16;
	s18 =	sshrl.u32 @!p1 s18, $0x11  }
0x27: {  	s18 =	smul.u32 @!p1 $0xF4280, s18  }
0x28: {  	s19 =	sxor.u32 @!p1 $0xFFFFFFFF, s13;
	s16 =	sshrl.u32 @!p1 s16, $0x11  }
0x29: {  	s19 =	sshll.u32 @!p1 s19, $0xD;
	s16 =	sand.u32 @!p1 $0x3F, s16;
	s17 =	ssub.s32 @!p1 s17, s18  }
0x2a: {  	s16 =	smul.u32 @!p1 $0x1E850, s16;
	s18 =	sshrl.u32 @!p1 s17, $0x3;
	s17 =	sand.u32 @!p1 $0x7, s17  }
0x2b: {  	s19 =	sand.u32 @!p1 $0x2000, s19;
	s18 =	sadd.s32 @!p1 s2, s18;
	s17 =	sshll.u32 @!p1 s17, $0x12  }
0x2c: {  	s16 =	sadd.s32 @!p1 s16, s18;
	s17 =	sor.u32 @!p1 $0x400, s17;
	s18 =	simm.s32 @!p1 $0x7A1400  }
0x2d: {  	[tilespmem:s19], [sflag:$0x1] =	stream.strided.gather @!p1 [hbm4b:s16+s17], $0x2000, s18, s17, $0x38;
	[tilespmem:$0x8100] =	vst v63  }
0x2e: {  	p1 =	seq.s32 s13, $0x0  }
0x2f: {  	p2 =	sge.u32 @!p1 s13, s7  }
0x30: {  	p1 =	por p1, p2  }
.Ltmp2:
0x31: {  	_ = 	snop;
	(pc) =	sbr.rel @p1 .LBB1_5-.Ltmp2, $1  }
0x32: {  	_ =	sdelay $0x3  }
0x33: {  	s16 =	simm.s32 $0x1  }
0x34: {  	_ =	swait.ge [sflag:s4], $0x2000;
	s16 =	simm.s32 @!p0 $0x0  }
0x35: {  	[sflag:s4] =	ssyncset.done $0x0;
	s17 =	sshll.u32 s16, $0xD  }
0x36: {  	[sflag:s4] =	ssyncadd.s32 $0xFFFFE000;
	s17 =	sor.u32 $0x40, s17  }
0x37: {  	s16 =	smul.u32 $0x8200, s16;
	v0 =	vld [tilespmem:s17+$0x30]  }
0x38: {  	v1 =	vld [tilespmem:s17+$0xFFFFFFD0]  }
0x39: {  	s16 =	sshrl.u32 s16, $0x2;
	v5 =	vld [tilespmem:s17+$0xFFFFFFE0]  }
0x3a: {  	v6 =	vld [tilespmem:s17+$0xFFFFFFF0];
	s19 =	sor.u32 $0x4000, s16  }
0x3b: {  	s31 =	sand.u32 $0x1, s13;
	v4 =	vld [tilespmem:s17+$0x0];
	s18 =	sadd.s32 $0x0, s19  }
0x3c: {  	v3 =	vld [tilespmem:s17+$0x10];
	s16 =	smul.u32 $0x8200, s31;
	[tilespmem:s18+$0x1C70 ss:$0x41] =	vst.msk $0xffff, v0  }
0x3d: {  	v2 =	vld [tilespmem:s17+$0x20];
	[tilespmem:s18+$0x410 ss:$0x41] =	vst.msk $0xffff, v1  }
0x3e: {  	s16 =	sshrl.u32 s16, $0x2;
	v1 =	vld [tilespmem:s17+$0xFFFFFFC0];
	[tilespmem:s18+$0x820 ss:$0x41] =	vst.msk $0xffff, v5;
	s17 =	sadd.s32 $0x80, s17  }
0x3f: {  	s20 =	simm.s32 $0x4;
	s21 =	simm.s32 $0x8;
	s16 =	sor.u32 $0x4000, s16;
	[tilespmem:s18+$0xC30 ss:$0x41] =	vst.msk $0xffff, v6;
	v0 =	vld [tilespmem:s17+$0x30]  }
.LBB1_3:
0x40: {  	p1 =	sne.s32 s21, $0xFC;
	v5 =	vld [tilespmem:s17+$0xFFFFFFD0];
	[tilespmem:s18+$0x1040 ss:$0x41] =	vst.msk $0xffff, v4  }
0x41: {  	v6 =	vld [tilespmem:s17+$0xFFFFFFE0];
	[tilespmem:s18+$0x1450 ss:$0x41] =	vst.msk $0xffff, v3  }
0x42: {  	s22 =	sshra.s32 s20, $0x2;
	s20 =	smov.u32 s21;
	v7 =	vld [tilespmem:s17+$0xFFFFFFF0];
	[tilespmem:s18+$0x1860 ss:$0x41] =	vst.msk $0xffff, v2  }
.Ltmp3:
0x43: {  	v4 =	vld [tilespmem:s17+$0x0];
	[tilespmem:s18+$0x0 ss:$0x41] =	vst.msk $0xffff, v1;
	s18 =	sadd.s32 s22, s19;
	(pc) =	sbr.rel @p1 .LBB1_3-.Ltmp3, $4  }
0x44: {  	v3 =	vld [tilespmem:s17+$0x10];
	[tilespmem:s18+$0x1C70 ss:$0x41] =	vst.msk $0xffff, v0  }
0x45: {  	[tilespmem:s18+$0x410 ss:$0x41] =	vst.msk $0xffff, v5;
	v2 =	vld [tilespmem:s17+$0x20]  }
0x46: {  	v1 =	vld [tilespmem:s17+$0xFFFFFFC0];
	[tilespmem:s18+$0x820 ss:$0x41] =	vst.msk $0xffff, v6;
	s17 =	sadd.s32 $0x80, s17  }
0x47: {  	s21 =	sadd.s32 $0x4, s21;
	v0 =	vld [tilespmem:s17+$0x30];
	[tilespmem:s18+$0xC30 ss:$0x41] =	vst.msk $0xffff, v7  }
0x48: {  	s21 =	sshll.u32 s9, $0x7;
	s22 =	sshll.u32 s10, $0x3;
	s20 =	sshra.s32 s20, $0x2  }
0x49: {  	p1 =	sgt.s32 s9, $0xF41C0;
	s30 =	sshra.s32 s9, $0x1F;
	s25 =	sshra.s32 s10, $0x1F  }
0x4a: {  	v5 =	vld [tilespmem:s17+$0xFFFFFFD0];
	s28 =	sshrl.u32 s10, $0x3;
	s23 =	sand.u32 $0xFFFFFC00, s21;
	s22 =	sand.u32 $0xFFFFFC00, s22  }
0x4b: {  	[tilespmem:s18+$0x1040 ss:$0x41] =	vst.msk $0xffff, v4;
	v58 =	vld [tilespmem:s17+$0xFFFFFFE0];
	s21 =	sand.u32 $0x380, s21;
	s19 =	sadd.s32 s20, s19;
	s22 =	sadd.s32 s22, s23  }
0x4c: {  	v59 =	vld [tilespmem:s17+$0xFFFFFFF0];
	[tilespmem:s18+$0x1450 ss:$0x41] =	vst.msk $0xffff, v3;
	s29 =	sor.u32 s21, s22;
	s21 =	smov.u32 s9;
	s22 =	sand.u32 s30, s9  }
0x4d: {  	v60 =	vld [tilespmem:s17+$0x0];
	[tilespmem:s18+$0x1860 ss:$0x41] =	vst.msk $0xffff, v2;
	s30 =	sand.u32 $0x7, s10;
	s20 =	sshrl.u32 s29, $0x7;
	s21 =	simm.s32 @!p1 $0xF41C0  }
0x4e: {  	v61 =	vld [tilespmem:s17+$0x10];
	[tilespmem:s18+$0x0 ss:$0x41] =	vst.msk $0xffff, v1;
	p1 =	sgt.s32 s10, $0x40;
	s24 =	ssub.s32 s21, s22;
	s21 =	smov.u32 s10  }
0x4f: {  	v62 =	vld [tilespmem:s17+$0x20];
	[tilespmem:s19+$0x1C70 ss:$0x41] =	vst.msk $0xffff, v0;
	s31 =	smulhi.u32 $0x218DEF5, s20;
	s22 =	sand.u32 s25, s10;
	s21 =	simm.s32 @!p1 $0x40  }
0x50: {  	v63 =	vld [tilespmem:s17+$0xFFFFFFC0];
	[tilespmem:s19+$0x410 ss:$0x41] =	vst.msk $0xffff, v5;
	s26 =	sadd.s32 $0xFFF0BE40, s24;
	s17 =	ssub.s32 $0xF4240, s24;
	s21 =	ssub.s32 s21, s22  }
0x51: {  	[tilespmem:s19+$0x820 ss:$0x41] =	vst.msk $0xffff, v58;
	s23 =	sshrl.u32 s31, $0xD;
	p1 =	sgt.s32 s26, $0x7F;
	s27 =	sadd.s32 $0xFFFFFFC0, s21  }
0x52: {  	[tilespmem:s19+$0xC30 ss:$0x41] =	vst.msk $0xffff, v59;
	s23 =	smul.u32 $0xF4240, s23;
	s18 =	ssub.s32 $0x80, s21;
	p2 =	sgt.s32 s27, $0x3F  }
.Ltmp4:
0x53: {  	[tilespmem:s19+$0x1040 ss:$0x41] =	vst.msk $0xffff, v60;
	s17 =	simm.s32 @p1 $0x0;
	s18 =	simm.s32 @p2 $0x0;
	(pc) =	sbr.rel .LBB1_5-.Ltmp4, $4  }
0x54: {  	s29 =	sand.u32 $0xF, s28;
	[tilespmem:s19+$0x1450 ss:$0x41] =	vst.msk $0xffff, v61;
	s20 =	ssub.s32 s20, s23;
	s17 =	smul.u32 s18, s17  }
0x55: {  	[tilespmem:s19+$0x1860 ss:$0x41] =	vst.msk $0xffff, v62;
	s21 =	sshll.u32 s30, $0x12;
	s20 =	sshll.u32 s20, $0x4;
	s18 =	sadd.s32 s5, s29  }
0x56: {  	[tilespmem:s19+$0x0 ss:$0x41] =	vst.msk $0xffff, v63;
	s31 =	sor.u32 $0x40, s21;
	s18 =	sadd.s32 s20, s18;
	s17 =	sand.u32 $0x3FFFFFFF, s17  }
0x57: {  	[hbm4b:s18+s31] =	stream.strided.scatter [tilespmem:s16], [sflag:$0x2], s17, s8, s31, $0x18;
	[tilespmem:$0x8100] =	vst v63  }
.LBB1_6:
0x58: {  	_ =	sfence.sel $0x180000  }
0x59: {  	s2 =	simm.s32 $0x1;
	[bflag:$0x0] =	sbarrier.arrive $0xFFFF  }
0x5a: {  	s31 =	simm.s32 $0x2;
	[sflag:s2] =	ssyncpa.u1 $0x1  }
0x5b: {  	[sflag:s31] =	ssyncpa.u1 $0x1  }
0x5c: {  	p0 =	sne.s32 s1, $0x0;
	_ =	strace $0x90000047  }
0x5d: {  	s0 =	sadd.s32 @!p0 $0x100000, s0;
	[bflag:$0x2] =	sbarrier.arrive $0xFFFF  }
0x5e: {  	[sflag:s0] =	ssyncadd.tile.s32 @!p0 $0x1;
	_ =	shalt  }
.Lfunc_end1:
_tile_overlayer_lowered:
.L_overlay_start_2:
0x5f: {  	(tag) =	ssettag $0x2  }
0x60: {  	s0 =	rddreg [dreg:$0x0];
	s2 =	stileid.u32  }
0x61: {  	s1 =	rddreg [dreg:$0x1];
	p0 =	sne.s32 s2, $0x0  }
0x62: {  	s3 =	rddreg [dreg:$0x2];
	[bflag:$0x3] =	sbarrier.arrive $0xFFFF;
	s2 =	simm.s32 @!p0 $0x1C01  }
0x63: {  	[timem:s3], [sflag:s2] =	dma.local @!p0 [hbm:s0], s1  }
0x64: {  	s0 =	simm.s32 @!p0 $0x1  }
0x65: {  	_ =	swait.ge @!p0 [sflag:s0], s1  }
0x66: {  	s1 =	ssub.s32 @!p0 $0x0, s1;
	[sflag:s0] =	ssyncset.done @!p0 $0x0  }
0x67: {  	[sflag:s0] =	ssyncadd.s32 @!p0 s1  }
0x68: {  	[bflag:$0x3] =	sbarrier.arrive $0xFFFF  }
0x69: {  	_ =	shalt  }

// kernel: sparse-core-data-format-call.cloned.1.call-start
scs
called_computation_lowered:
.L_overlay_start_0:
0x0: {  	s2 =	sld [smem:$0x3FD9]  }
0x1: {  	s3 =	sld [smem:$0x3FFE];
	_ =	sdelay $0x1  }
0x2: {  	s1 =	srdreg.scid  }
0x3: {  	s0 =	sand.u32 $0x1, s1  }
0x4: {  	s18 =	sshll.u32 s0, $0xA;
	s2 =	sadd.s32 s3, s2  }
0x5: {  	s2 =	sadd.s32 s2, s18  }
0x6: {  	[smem:$0x3FC6] =	sst s2  }
0x7: {  	_ = 	snop  }
0x8: {  	s2 =	sld [smem:$0x3FD0];
	(tm) =	ssettm $0x1  }
0x9: {  	s19 =	sld [smem:$0x3FFB];
	_ =	sdelay $0x3  }
0xa: {  	_ =	strace s19  }
0xb: {  	s3 =	sld [smem:$0x3FFC];
	_ =	sdelay $0x3  }
0xc: {  	_ =	strace s3  }
0xd: {  	s3 =	sld [smem:$0x3FFD];
	_ =	sdelay $0x3  }
0xe: {  	_ =	strace s3  }
0xf: {  	_ =	strace $0x8FFFFFFF  }
0x10: {  	s20 =	sld [smem:$0x3FDB];
	_ =	sdelay $0x1  }
0x11: {  	s4 =	simm.s32 $_scs_section_size  }
0x12: {  	s5 =	simm.s32 $_size__tile_overlayer_lowered;
	s6 =	simm.s32 $_tile_overlayer_lowered  }
0x13: {  	s23 =	simm.s32 $0x1BFF;
	s22 =	sshll.u32 s6, $0x1;
	s3 =	sadd.s32 s4, s20  }
0x14: {  	s7 =	simm.s32 $0x0;
	s21 =	sshll.u32 s5, $0x1;
	s5 =	sadd.s32 s22, s3  }
0x15: {  	[timem:s7], [sflag:s23] =	dma.local [hbm:s5], s21  }
0x16: {  	_ =	swait.ge [sflag:s23], s21  }
0x17: {  	s4 =	ssub.s32 $0x0, s21;
	[sflag:s23] =	ssyncset.done $0x0  }
0x18: {  	[sflag:s23] =	ssyncadd.s32 s4;
	_ =	sdelay $0x1  }
0x19: {  	s24 =	simm.s32 $0x1B8B  }
0x1a: {  	_ =	swait.ge [sflag:s24], $0x1  }
0x1b: {  	[sflag:s24] =	ssyncset.done $0x0  }
0x1c: {  	s26 =	simm.s32 $0x1B8E;
	s25 =	sld [smem:$0x3FFE];
	[sflag:s24] =	ssyncadd.s32 $0xFFFFFFFF  }
0x1d: {  	s27 =	simm.s32 $execute0_lowered;
	[smem:$0x3FD2] =	sst s26  }
0x1e: {  	s5 =	sshll.u32 s27, $0x1;
	_ =	strace $0x8000004C;
	[dreg:$0x1] =	wrdreg $0xFFFFFFFF  }
0x1f: {  	s28 =	simm.s32 $_size_execute0_lowered;
	s3 =	sadd.s32 s3, s5;
	[dreg:$0x0] =	wrdreg $0x0  }
0x20: {  	s5 =	sshll.u32 s28, $0x1;
	[dreg:$0x2] =	wrdreg s3  }
0x21: {  	[dreg:$0x3] =	wrdreg s5  }
0x22: {  	[dreg:$0x4] =	wrdreg $0xC0  }
0x23: {  	_ =	task [dreg:s7], $0x5FFFF  }
0x24: {  	[dreg:$0x1] =	wrdreg $0xFFFFFFFF  }
0x25: {  	[dreg:$0x0] =	wrdreg $0x60  }
0x26: {  	[dreg:$0x2] =	wrdreg s25  }
0x27: {  	[dreg:$0x3] =	wrdreg s2  }
0x28: {  	[dreg:$0x4] =	wrdreg $0x9  }
0x29: {  	_ =	task.clear_ibuf [dreg:s7], $0x5FFFF;
	_ =	strace $0x9000004C  }
0x2a: {  	s29 =	simm.s32 $0x9;
	_ =	strace $0x8000004E  }
0x2b: {  	_ =	swait.ge [sflag:s29], $0x1  }
0x2c: {  	[sflag:s29] =	ssyncadd.s32 $0xFFFFFFFF  }
0x2d: {  	_ =	strace $0x9000004E  }
0x2e: {  	_ =	sfence  }
0x2f: {  	s30 =	sld [smem:$0x0];
	_ =	sdelay $0x2  }
0x30: {  	s31 =	sshll.u32 s1, $0xD;
	s1 =	sshrl.u32 s1, $0x2  }
0x31: {  	s3 =	sand.u32 $0x4000, s31;
	s1 =	sadd.s32 s1, s30  }
0x32: {  	s0 =	sor.u32 s3, s0;
	s1 =	sshll.u32 s1, $0x11  }
0x33: {  	s0 =	sor.u32 s1, s0  }
0x34: {  	s0 =	sadd.s32 $0x8F2B, s0  }
0x35: {  	[sflag:s0] =	ssyncadd.remote.s32 $0x1  }
0x36: {  	_ =	sfence.sel $0xFFFF  }
0x37: {  	[dreg:$0x0] =	wrdreg $0xFFFFFFFF;
	(pc) =	sbr.abs _section_cstart, $3  }
0x38: {  	[dreg:$0x1] =	wrdreg $0xFFFFFFFF  }
0x39: {  	_ =	task.clear_ibuf [dreg:s7], $0x2FFFF;
	_ =	strace $0x9FFFFFFF  }
0x3a: {  	(tm) =	ssettm $0x7FFFFFFF  }
0x3b: {  	_ =	shalt  }
tec
execute0_lowered:
.L_overlay_start_1:
0x0: {  	(tag) =	ssettag $0x1  }
0x1: {  	s0 =	srdreg.scid  }
0x2: {  	s1 =	sshll.u32 s0, $0x4  }
0x3: {  	s0 =	stileid.u32;
	s1 =	sand.u32 $0x10, s1  }
0x4: {  	s1 =	sor.u32 s0, s1  }
0x5: {  	s6 =	rddreg [dreg:$0x0];
	s4 =	simm.s32 $0x1;
	s2 =	sshll.u32 s1, $0x7  }
0x6: {  	s7 =	simm.s32 $0x2;
	s12 =	simm.s32 $0x0;
	s1 =	ssub.s32 $0x1000, s2  }
0x7: {  	s8 =	simm.s32 $0x8000;
	s13 =	simm.s32 $0x0;
	s3 =	sand.u32 $0xF80, s1  }
0x8: {  	s9 =	simm.s32 $0x0;
	s5 =	sshrl.u32 s1, $0xC;
	p0 =	sne.s32 s3, $0x0  }
.Ltmp0:
0x9: {  	s1 =	rddreg [dreg:$0x2];
	s4 =	simm.s32 @!p0 $0x0;
	(pc) =	sbr.rel .LBB1_1-.Ltmp0, $4  }
0xa: {  	s11 =	simm.s32 $0x0;
	s3 =	rddreg [dreg:$0x1];
	s5 =	sadd.s32 s4, s5  }
0xb: {  	_ =	strace $0x8000004D;
	s4 =	simm.s32 $0x1;
	s5 =	smul.u32 $0x32, s5  }
0xc: {  	s6 =	sadd.s32 $0xE00, s6;
	s10 =	smov.u32 s2;
	[sflag:s4] =	ssyncpa.u1 $0x0  }
0xd: {  	p0 =	por $0x0, $0x0;
	[sflag:s7] =	ssyncpa.u1 $0x0;
	s7 =	sor.u32 $0x1, s5  }
.LBB1_4:
0xe: {  	s16 =	sshll.u32 s13, $0x3;
	s17 =	sand.u32 $0x78, s13  }
0xf: {  	s30 =	sand.u32 $0x7E00, s13;
	s12 =	sshll.u32 s12, $0xF;
	s16 =	sand.u32 $0xC00, s16  }
0x10: {  	[tilespmem:s15+$0x810 ss:$0x81] =	vst.msk $0xffff, v2;
	s31 =	sand.u32 $0x7, s13;
	s16 =	sor.u32 s17, s16;
	s17 =	sadd.s32 s3, s30  }
0x11: {  	[tilespmem:s15+$0x1020 ss:$0x81] =	vst.msk $0xffff, v0;
	s13 =	sshll.u32 s31, $0x12;
	s12 =	sadd.s32 s12, s17;
	s16 =	sshrl.u32 s16, $0x3  }
0x12: {  	[tilespmem:s15+$0x0 ss:$0x81] =	vst.msk $0xffff, v1;
	s13 =	sor.u32 $0x400, s13;
	s12 =	sadd.s32 s16, s12  }
0x13: {  	[hbm4b:s12+s13] =	stream.strided.scatter [tilespmem:s14], [sflag:$0x2], $0x2000, s8, s13, $0x20;
	[tilespmem:$0x8080] =	vst v63  }
.LBB1_5:
0x14: {  	s14 =	sadd.s32 $0x1, s9  }
0x15: {  	s12 =	sadd.s32 $0x1000, s10;
	s16 =	smov.u32 s10;
	p2 =	sgt.s32 s14, $0x31  }
0x16: {  	s16 =	smov.u32 @p2 s12  }
0x17: {  	s14 =	simm.s32 @p2 $0x0;
	p2 =	sgt.s32 s16, $0xFFF  }
0x18: {  	s16 =	smov.u32 @p2 s2;
	p2 =	sne.s32 s11, s7  }
.Ltmp1:
0x19: {  	p1 =	slt.u32 s11, $0x2;
	(pc) =	sbr.rel @!p2 .LBB1_6-.Ltmp1, $4  }
0x1a: {  	s15 =	simm.s32 @!p1 $0x2  }
0x1b: {  	s13 =	smov.u32 s10;
	p0 =	por !p0, !p0;
	_ =	swait.ge @!p1 [sflag:s15], $0x2000  }
0x1c: {  	s12 =	smov.u32 s9;
	[sflag:s15] =	ssyncset.done @!p1 $0x0;
	s9 =	smov.u32 s14  }
0x1d: {  	s11 =	sadd.s32 $0x1, s11;
	[sflag:s15] =	ssyncadd.s32 @!p1 $0xFFFFE000;
	s10 =	smov.u32 s16  }
.LBB1_1:
0x1e: {  	p1 =	sge.u32 s11, s5  }
0x1f: {  	s14 =	sand.u32 @!p1 $0x1FFFFFF, s9  }
0x20: {  	s15 =	smulhi.u32 @!p1 $0x4924925, s14;
	_ =	sdelay $0x1  }
0x21: {  	s15 =	smul.u32 @!p1 $0x38, s15  }
0x22: {  	s16 =	sxor.u32 @!p1 $0xFFFFFFFF, s11;
	s17 =	smul.u32 @!p1 $0x380, s10  }
0x23: {  	s31 =	sadd.s32 $0xFFFFFFFF, s11;
	s16 =	sshll.u32 @!p1 s16, $0xD;
	s14 =	ssub.s32 @!p1 s14, s15  }
0x24: {  	s15 =	sand.u32 @!p1 $0x2000, s16;
	s16 =	sadd.s32 @!p1 s6, s17;
	s14 =	sshll.u32 @!p1 s14, $0x4  }
0x25: {  	s17 =	simm.s32 @!p1 $0x1C00;
	s14 =	sadd.s32 @!p1 s14, s16;
	s16 =	simm.s32 @!p1 $0x40  }
0x26: {  	[tilespmem:s15], [sflag:$0x1] =	stream.strided.gather @!p1 [hbm4b:s14+s16], $0x2000, s17, s16, $0x38;
	[tilespmem:$0x8080] =	vst v63  }
0x27: {  	p1 =	sge.u32 s31, s5  }
.Ltmp2:
0x28: {  	_ = 	snop;
	(pc) =	sbr.rel @p1 .LBB1_5-.Ltmp2, $1  }
0x29: {  	_ =	sdelay $0x3  }
0x2a: {  	s14 =	simm.s32 $0x1  }
0x2b: {  	_ =	swait.ge [sflag:s4], $0x2000;
	s14 =	simm.s32 @!p0 $0x0  }
0x2c: {  	[sflag:s4] =	ssyncset.done $0x0;
	s15 =	sshll.u32 s14, $0xD  }
0x2d: {  	[sflag:s4] =	ssyncadd.s32 $0xFFFFE000;
	s18 =	sor.u32 $0x20, s15  }
0x2e: {  	s14 =	smul.u32 $0x8100, s14;
	v3 =	vld [tilespmem:s18+$0x10]  }
0x2f: {  	s30 =	sand.u32 $0x1, s11;
	v2 =	vld [tilespmem:s18+$0xFFFFFFF0]  }
0x30: {  	s15 =	smul.u32 $0x8100, s30;
	s14 =	sshrl.u32 s14, $0x2;
	v0 =	vld [tilespmem:s18+$0x0]  }
0x31: {  	v1 =	vld [tilespmem:s18+$0xFFFFFFE0];
	s16 =	sor.u32 $0x4000, s14  }
0x32: {  	s31 =	sshrl.u32 s15, $0x2;
	s15 =	sadd.s32 $0x0, s16  }
0x33: {  	s17 =	simm.s32 $0x4;
	s18 =	sadd.s32 $0x40, s18;
	s14 =	sor.u32 $0x4000, s31;
	[tilespmem:s15+$0x1830 ss:$0x81] =	vst.msk $0xffff, v3  }
.LBB1_3:
0x34: {  	v3 =	vld [tilespmem:s18+$0x10];
	p1 =	sne.s32 s17, $0x1FC;
	[tilespmem:s15+$0x810 ss:$0x81] =	vst.msk $0xffff, v2;
	s19 =	smov.u32 s17;
	s17 =	sadd.s32 $0x4, s17  }
.Ltmp3:
0x35: {  	v2 =	vld [tilespmem:s18+$0xFFFFFFF0];
	[tilespmem:s15+$0x1020 ss:$0x81] =	vst.msk $0xffff, v0;
	(pc) =	sbr.rel @p1 .LBB1_3-.Ltmp3, $4  }
0x36: {  	v0 =	vld [tilespmem:s18+$0x0];
	[tilespmem:s15+$0x0 ss:$0x81] =	vst.msk $0xffff, v1  }
0x37: {  	s15 =	sshra.s32 s19, $0x2;
	v1 =	vld [tilespmem:s18+$0xFFFFFFE0]  }
0x38: {  	s15 =	sadd.s32 s15, s16  }
0x39: {  	s18 =	sadd.s32 $0x40, s18;
	[tilespmem:s15+$0x1830 ss:$0x81] =	vst.msk $0xffff, v3  }
.Ltmp4:
0x3a: {  	_ = 	snop;
	(pc) =	sbr.rel .LBB1_4-.Ltmp4, $1  }
0x3b: {  	_ =	sdelay $0x3  }
.LBB1_6:
0x3c: {  	_ =	sfence.sel $0x180000  }
0x3d: {  	s2 =	simm.s32 $0x1;
	[bflag:$0x0] =	sbarrier.arrive $0xFFFF  }
0x3e: {  	s31 =	simm.s32 $0x2;
	[sflag:s2] =	ssyncpa.u1 $0x1  }
0x3f: {  	[sflag:s31] =	ssyncpa.u1 $0x1  }
0x40: {  	p0 =	sne.s32 s0, $0x0;
	_ =	strace $0x9000004D  }
0x41: {  	s0 =	sadd.s32 @!p0 $0x100000, s1;
	[bflag:$0x2] =	sbarrier.arrive $0xFFFF  }
0x42: {  	[sflag:s0] =	ssyncadd.tile.s32 @!p0 $0x1;
	_ =	shalt  }
.Lfunc_end1:
_tile_overlayer_lowered:
.L_overlay_start_2:
0x43: {  	(tag) =	ssettag $0x2  }
0x44: {  	s0 =	rddreg [dreg:$0x0];
	s2 =	stileid.u32  }
0x45: {  	s1 =	rddreg [dreg:$0x1];
	p0 =	sne.s32 s2, $0x0  }
0x46: {  	s3 =	rddreg [dreg:$0x2];
	[bflag:$0x3] =	sbarrier.arrive $0xFFFF;
	s2 =	simm.s32 @!p0 $0x1C01  }
0x47: {  	[timem:s3], [sflag:s2] =	dma.local @!p0 [hbm:s0], s1  }
0x48: {  	s0 =	simm.s32 @!p0 $0x1  }
0x49: {  	_ =	swait.ge @!p0 [sflag:s0], s1  }
0x4a: {  	s1 =	ssub.s32 @!p0 $0x0, s1;
	[sflag:s0] =	ssyncset.done @!p0 $0x0  }
0x4b: {  	[sflag:s0] =	ssyncadd.s32 @!p0 s1  }
0x4c: {  	[bflag:$0x3] =	sbarrier.arrive $0xFFFF  }
0x4d: {  	_ =	shalt  }

</sc_bundles>
